<compile_context>
chip_gen: v7x
topology: tpu7x:2x2x1
jax: 0.10.2.dev20260603
libtpu: 0.0.44.dev20260713+nightly
codegen_flags: <defaults>
</compile_context>

<pallas_src>
import functools

import jax
import jax.numpy as jnp
from jax import lax
from jax.experimental import pallas as pl
from jax.experimental.pallas import tpu as pltpu
from jax.experimental.pallas import tpu_sc as plsc

REG_COEF = 0.01
NUM_CORES = 2
NUM_SUBCORES = 16
NW = NUM_CORES * NUM_SUBCORES
LANES = 16
CHUNK = 128


def _gmf_body(users_h, items_h, ue_h, ie_h, w_h,
              out_h, ssu_h, ssv_h,
              idx_u, idx_i, rows_u, rows_v, w_v, out_v, ss_v, sem):
    bpw = out_v.shape[0]
    nch = idx_u.shape[0]
    wid = lax.axis_index("s") * NUM_CORES + lax.axis_index("c")

    pltpu.sync_copy(users_h.at[wid], idx_u)
    pltpu.sync_copy(items_h.at[wid], idx_i)
    pltpu.sync_copy(w_h, w_v)

    cps = []
    for j in range(nch):
        cps.append(pltpu.async_copy(
            ue_h.at[idx_u.at[j]],
            rows_u.at[pl.ds(j * CHUNK, CHUNK)], sem))
        cps.append(pltpu.async_copy(
            ie_h.at[idx_i.at[j]],
            rows_v.at[pl.ds(j * CHUNK, CHUNK)], sem))
    for cp in cps:
        cp.wait()

    wvec = w_v[...]
    zero = jnp.zeros((LANES,), jnp.float32)
    lane = lax.iota(jnp.int32, LANES)
    masks = [lane == i for i in range(LANES)]
    perms = [lane ^ k for k in (1, 2, 4, 8)]
    gdn = lax.GatherDimensionNumbers(
        offset_dims=(), collapsed_slice_dims=(0,), start_index_map=(0,))

    def shuffle(x, pm):
        return lax.gather(
            x, pm[:, None], gdn, (1,),
            mode=lax.GatherScatterMode.PROMISE_IN_BOUNDS)

    def blk_body(b, carry):
        su, sv = carry
        base = b * LANES
        acc = zero
        for i in range(LANES):
            u = rows_u[base + i, :]
            v = rows_v[base + i, :]
            su = su + u * u
            sv = sv + v * v
            p = u * v * wvec
            for pm in perms:
                p = p + shuffle(p, pm)
            acc = jnp.where(masks[i], p, acc)
        out_v[pl.ds(base, LANES)] = acc
        return su, sv

    su, sv = lax.fori_loop(0, bpw // LANES, blk_body, (zero, zero))

    ss_v[0, :] = su
    ss_v[1, :] = sv
    pltpu.sync_copy(out_v, out_h.at[wid])
    pltpu.sync_copy(ss_v.at[0], ssu_h.at[wid])
    pltpu.sync_copy(ss_v.at[1], ssv_h.at[wid])


def kernel(users, items, users_ratings, items_ratings, U_emb, I_emb, W1):
    del users_ratings, items_ratings
    batch = users.shape[0]
    dim = U_emb.shape[1]
    bpw = batch // NW
    nch = bpw // CHUNK

    norm = jnp.sqrt(jnp.sum(W1 * W1))
    wvec = (W1 / jnp.maximum(norm, 1.0)).reshape(dim)

    users3 = users.reshape(NW, nch, CHUNK)
    items3 = items.reshape(NW, nch, CHUNK)

    mesh = plsc.VectorSubcoreMesh(core_axis_name="c", subcore_axis_name="s")
    gmf = functools.partial(
        pl.kernel,
        mesh=mesh,
        compiler_params=pltpu.CompilerParams(use_tc_tiling_on_sc=False),
        out_type=[
            jax.ShapeDtypeStruct((NW, bpw), jnp.float32),
            jax.ShapeDtypeStruct((NW, dim), jnp.float32),
            jax.ShapeDtypeStruct((NW, dim), jnp.float32),
        ],
        scratch_types=[
            pltpu.VMEM((nch, CHUNK), jnp.int32),
            pltpu.VMEM((nch, CHUNK), jnp.int32),
            pltpu.VMEM((bpw, LANES), jnp.float32),
            pltpu.VMEM((bpw, LANES), jnp.float32),
            pltpu.VMEM((dim,), jnp.float32),
            pltpu.VMEM((bpw,), jnp.float32),
            pltpu.VMEM((2, dim), jnp.float32),
            pltpu.SemaphoreType.DMA,
        ],
    )(_gmf_body)

    inf2, ssu, ssv = gmf(users3, items3, U_emb, I_emb, wvec)

    inference = inf2.reshape(batch, 1)
    regs = REG_COEF * (jnp.sqrt(jnp.sum(ssu)) + jnp.sqrt(jnp.sum(ssv)))
    return (inference, regs)

# --- scband reference (transcript-rebuilt; emitter-appended) ---
"""Pipeline reference for scband-gmf-13864154432069 (READ-ONLY COPY).

The authoritative reference and input builder live on the scoring server;
editing this copy changes nothing except your own understanding.
"""

import jax, jax.numpy as jnp
import numpy as np

NUM_USERS = 1000000
NUM_ITEMS = 1000000
EMBED_DIM = 16
REG = 0.01
BATCH = 16384


def setup_inputs(seed: int = 0) -> dict:
    key = jax.random.key(seed)
    k1, k2, k3, k4, k5, k6, k7 = jax.random.split(key, 7)
    users = jax.random.randint(k1, (BATCH,), 0, NUM_USERS, dtype=jnp.int64 if jax.config.jax_enable_x64 else jnp.int32).astype(jnp.int32)
    items = jax.random.randint(k2, (BATCH,), 0, NUM_ITEMS, dtype=jnp.int32)
    users_ratings = jax.random.randint(k3, (BATCH,), 0, NUM_ITEMS, dtype=jnp.int32)
    items_ratings = jax.random.randint(k4, (BATCH,), 0, NUM_USERS, dtype=jnp.int32)
    U_emb = jax.random.normal(k5, (NUM_USERS, EMBED_DIM), dtype=jnp.float32)
    I_emb = jax.random.normal(k6, (NUM_ITEMS, EMBED_DIM), dtype=jnp.float32)
    W1 = jax.random.normal(k7, (1, EMBED_DIM), dtype=jnp.float32) * (1.0 / np.sqrt(EMBED_DIM))
    return {"users": users, "items": items, "users_ratings": users_ratings, "items_ratings": items_ratings, "U_emb": U_emb, "I_emb": I_emb, "W1": W1}


def reference(users, items, users_ratings, items_ratings, U_emb, I_emb, W1):
    # constrain(W1): renormalize rows with L2 norm > 1 to unit norm
    c = jnp.linalg.norm(W1, ord=2, axis=1, keepdims=True)
    c = jnp.maximum(c, 1.0)
    W1n = W1 / c
    # embedding lookups
    users_embedding = jnp.take(U_emb, users, axis=0)  # [B, d]
    items_embedding = jnp.take(I_emb, items, axis=0)  # [B, d]
    out1 = users_embedding * items_embedding  # [B, d]
    # Linear(embedding_dim, 1, bias=False): out1 @ W1n.T -> [B, 1]
    inference = out1 @ W1n.T
    inference = jnp.sum(inference, axis=1, keepdims=True)  # [B, 1]
    regs = REG * (jnp.linalg.norm(users_embedding) + jnp.linalg.norm(items_embedding))
    return (inference, regs)

if __name__ == "__main__":
    import jax
    _d = setup_inputs()
    print(jax.jit(kernel)(*tuple(_d.values())))

</pallas_src>

<mosaic_0001>
#map = affine_map<(d0, d1) -> (0, 0, 0)>
#map1 = affine_map<(d0, d1) -> (0, 0)>
#map2 = affine_map<(d0, d1) -> (0)>
module attributes {stable_mosaic.version = 14 : i64} {
  func.func @_gmf_body(%arg0: i32, %arg1: i32, %arg2: memref<32x4x128xi32, #tpu.memory_space<hbm>>, %arg3: memref<32x4x128xi32, #tpu.memory_space<hbm>>, %arg4: memref<1000000x16xf32, #tpu.memory_space<hbm>>, %arg5: memref<1000000x16xf32, #tpu.memory_space<hbm>>, %arg6: memref<16xf32, #tpu.memory_space<hbm>>, %arg7: memref<32x512xf32, #tpu.memory_space<hbm>>, %arg8: memref<32x16xf32, #tpu.memory_space<hbm>>, %arg9: memref<32x16xf32, #tpu.memory_space<hbm>>, %arg10: memref<4x128xi32, #tpu.memory_space<vmem>>, %arg11: memref<4x128xi32, #tpu.memory_space<vmem>>, %arg12: memref<512x16xf32, #tpu.memory_space<vmem>>, %arg13: memref<512x16xf32, #tpu.memory_space<vmem>>, %arg14: memref<16xf32, #tpu.memory_space<vmem>>, %arg15: memref<512xf32, #tpu.memory_space<vmem>>, %arg16: memref<2x16xf32, #tpu.memory_space<vmem>>, %arg17: memref<!tpu.dma_semaphore, #tpu.memory_space<semaphore_mem>>) attributes {dimension_semantics = [#tpu.dimension_semantics<core_parallel>, #tpu.dimension_semantics<subcore_parallel>], iteration_bounds = array<i64: 2, 16>, scalar_prefetch = 0 : i64, scratch_operands = 8 : i64, tpu.core_type = #tpu.core_type<sc_vector_subcore>, window_params = [{transform_indices = #map}, {transform_indices = #map}, {transform_indices = #map1}, {transform_indices = #map1}, {transform_indices = #map2}, {transform_indices = #map1}, {transform_indices = #map1}, {transform_indices = #map1}]} {
    %mul3A = arith.constant 2 : i32
    %mul3A_0 = arith.muli %arg1, %mul3A : i32
    %add3A = arith.addi %mul3A_0, %arg0 : i32
    "tpu.region"() ({
      %run_scoped3A_237 = tpu.sem_alloc : memref<!tpu.dma_semaphore, #tpu.memory_space<semaphore_mem>>
      %dma_start3A_238 = arith.constant 0 : i32
      %dma_start3A_239 = arith.constant 0 : i32
      %dma_start3A_240 = tpu.memref_slice %arg2[%add3A, %dma_start3A_238, %dma_start3A_239] : memref<32x4x128xi32, #tpu.memory_space<hbm>> -> memref<1x4x128xi32, #tpu.memory_space<hbm>>
      %dma_start3A_241 = tpu.memref_squeeze %dma_start3A_240 : memref<1x4x128xi32, #tpu.memory_space<hbm>> -> memref<4x128xi32, #tpu.memory_space<hbm>>
      %dma_start3A_242 = arith.constant 0 : i32
      %dma_start3A_243 = arith.constant 0 : i32
      %dma_start3A_244 = tpu.memref_slice %arg2[%add3A, %dma_start3A_242, %dma_start3A_243] : memref<32x4x128xi32, #tpu.memory_space<hbm>> -> memref<1x4x128xi32, #tpu.memory_space<hbm>>
      %dma_start3A_245 = tpu.memref_squeeze %dma_start3A_244 : memref<1x4x128xi32, #tpu.memory_space<hbm>> -> memref<4x128xi32, #tpu.memory_space<hbm>>
      tpu.enqueue_dma source(%dma_start3A_245 : memref<4x128xi32, #tpu.memory_space<hbm>>) target(%arg10 : memref<4x128xi32, #tpu.memory_space<vmem>>) target_semaphore(%run_scoped3A_237 : memref<!tpu.dma_semaphore, #tpu.memory_space<semaphore_mem>>)
      %dma_wait3A_246 = arith.constant 0 : i32
      %dma_wait3A_247 = arith.constant 0 : i32
      %dma_wait3A_248 = tpu.memref_slice %arg2[%add3A, %dma_wait3A_246, %dma_wait3A_247] : memref<32x4x128xi32, #tpu.memory_space<hbm>> -> memref<1x4x128xi32, #tpu.memory_space<hbm>>
      %dma_wait3A_249 = tpu.memref_squeeze %dma_wait3A_248 : memref<1x4x128xi32, #tpu.memory_space<hbm>> -> memref<4x128xi32, #tpu.memory_space<hbm>>
      %dma_wait3A_250 = arith.constant 0 : i32
      %dma_wait3A_251 = arith.constant 0 : i32
      %dma_wait3A_252 = tpu.memref_slice %arg2[%add3A, %dma_wait3A_250, %dma_wait3A_251] : memref<32x4x128xi32, #tpu.memory_space<hbm>> -> memref<1x4x128xi32, #tpu.memory_space<hbm>>
      %dma_wait3A_253 = tpu.memref_squeeze %dma_wait3A_252 : memref<1x4x128xi32, #tpu.memory_space<hbm>> -> memref<4x128xi32, #tpu.memory_space<hbm>>
      tpu.wait_dma2 semaphore(%run_scoped3A_237 : memref<!tpu.dma_semaphore, #tpu.memory_space<semaphore_mem>>) src(%dma_wait3A_253 : memref<4x128xi32, #tpu.memory_space<hbm>>) dst(%arg10 : memref<4x128xi32, #tpu.memory_space<vmem>>)
      tpu.yield
    }) : () -> ()
    "tpu.region"() ({
      %run_scoped3A_237 = tpu.sem_alloc : memref<!tpu.dma_semaphore, #tpu.memory_space<semaphore_mem>>
      %dma_start3A_238 = arith.constant 0 : i32
      %dma_start3A_239 = arith.constant 0 : i32
      %dma_start3A_240 = tpu.memref_slice %arg3[%add3A, %dma_start3A_238, %dma_start3A_239] : memref<32x4x128xi32, #tpu.memory_space<hbm>> -> memref<1x4x128xi32, #tpu.memory_space<hbm>>
      %dma_start3A_241 = tpu.memref_squeeze %dma_start3A_240 : memref<1x4x128xi32, #tpu.memory_space<hbm>> -> memref<4x128xi32, #tpu.memory_space<hbm>>
      %dma_start3A_242 = arith.constant 0 : i32
      %dma_start3A_243 = arith.constant 0 : i32
      %dma_start3A_244 = tpu.memref_slice %arg3[%add3A, %dma_start3A_242, %dma_start3A_243] : memref<32x4x128xi32, #tpu.memory_space<hbm>> -> memref<1x4x128xi32, #tpu.memory_space<hbm>>
      %dma_start3A_245 = tpu.memref_squeeze %dma_start3A_244 : memref<1x4x128xi32, #tpu.memory_space<hbm>> -> memref<4x128xi32, #tpu.memory_space<hbm>>
      tpu.enqueue_dma source(%dma_start3A_245 : memref<4x128xi32, #tpu.memory_space<hbm>>) target(%arg11 : memref<4x128xi32, #tpu.memory_space<vmem>>) target_semaphore(%run_scoped3A_237 : memref<!tpu.dma_semaphore, #tpu.memory_space<semaphore_mem>>)
      %dma_wait3A_246 = arith.constant 0 : i32
      %dma_wait3A_247 = arith.constant 0 : i32
      %dma_wait3A_248 = tpu.memref_slice %arg3[%add3A, %dma_wait3A_246, %dma_wait3A_247] : memref<32x4x128xi32, #tpu.memory_space<hbm>> -> memref<1x4x128xi32, #tpu.memory_space<hbm>>
      %dma_wait3A_249 = tpu.memref_squeeze %dma_wait3A_248 : memref<1x4x128xi32, #tpu.memory_space<hbm>> -> memref<4x128xi32, #tpu.memory_space<hbm>>
      %dma_wait3A_250 = arith.constant 0 : i32
      %dma_wait3A_251 = arith.constant 0 : i32
      %dma_wait3A_252 = tpu.memref_slice %arg3[%add3A, %dma_wait3A_250, %dma_wait3A_251] : memref<32x4x128xi32, #tpu.memory_space<hbm>> -> memref<1x4x128xi32, #tpu.memory_space<hbm>>
      %dma_wait3A_253 = tpu.memref_squeeze %dma_wait3A_252 : memref<1x4x128xi32, #tpu.memory_space<hbm>> -> memref<4x128xi32, #tpu.memory_space<hbm>>
      tpu.wait_dma2 semaphore(%run_scoped3A_237 : memref<!tpu.dma_semaphore, #tpu.memory_space<semaphore_mem>>) src(%dma_wait3A_253 : memref<4x128xi32, #tpu.memory_space<hbm>>) dst(%arg11 : memref<4x128xi32, #tpu.memory_space<vmem>>)
      tpu.yield
    }) : () -> ()
    "tpu.region"() ({
      %run_scoped3A_237 = tpu.sem_alloc : memref<!tpu.dma_semaphore, #tpu.memory_space<semaphore_mem>>
      tpu.enqueue_dma source(%arg6 : memref<16xf32, #tpu.memory_space<hbm>>) target(%arg14 : memref<16xf32, #tpu.memory_space<vmem>>) target_semaphore(%run_scoped3A_237 : memref<!tpu.dma_semaphore, #tpu.memory_space<semaphore_mem>>)
      tpu.wait_dma2 semaphore(%run_scoped3A_237 : memref<!tpu.dma_semaphore, #tpu.memory_space<semaphore_mem>>) src(%arg6 : memref<16xf32, #tpu.memory_space<hbm>>) dst(%arg14 : memref<16xf32, #tpu.memory_space<vmem>>)
      tpu.yield
    }) : () -> ()
    %dma_start3A = arith.constant 0 : i32
    %dma_start3A_1 = arith.constant 0 : i32
    %dma_start3A_2 = arith.constant 0 : i32
    %dma_start3A_3 = tpu.memref_slice %arg12[%dma_start3A_1, %dma_start3A_2] : memref<512x16xf32, #tpu.memory_space<vmem>> -> memref<128x16xf32, #tpu.memory_space<vmem>>
    %dma_start3A_4 = arith.constant 0 : i32
    %dma_start3A_5 = tpu.memref_slice %arg10[%dma_start3A, %dma_start3A_4] : memref<4x128xi32, #tpu.memory_space<vmem>> -> memref<1x128xi32, #tpu.memory_space<vmem>>
    %dma_start3A_6 = tpu.memref_squeeze %dma_start3A_5 : memref<1x128xi32, #tpu.memory_space<vmem>> -> memref<128xi32, #tpu.memory_space<vmem>>
    %dma_start3A_7 = arith.constant 0 : i32
    %dma_start3A_8 = arith.constant 0 : i32
    %dma_start3A_9 = tpu.memref_slice %arg4[%dma_start3A_7, %dma_start3A_8] : memref<1000000x16xf32, #tpu.memory_space<hbm>> -> memref<1000000x16xf32, #tpu.memory_space<hbm>>
    tpu.enqueue_indirect_dma source(%dma_start3A_9 : memref<1000000x16xf32, #tpu.memory_space<hbm>>) target(%dma_start3A_3 : memref<128x16xf32, #tpu.memory_space<vmem>>) offsets(%dma_start3A_6 : memref<128xi32, #tpu.memory_space<vmem>>) semaphore(%arg17 : memref<!tpu.dma_semaphore, #tpu.memory_space<semaphore_mem>>)
    %dma_start3A_10 = arith.constant 0 : i32
    %dma_start3A_11 = arith.constant 0 : i32
    %dma_start3A_12 = arith.constant 0 : i32
    %dma_start3A_13 = tpu.memref_slice %arg13[%dma_start3A_11, %dma_start3A_12] : memref<512x16xf32, #tpu.memory_space<vmem>> -> memref<128x16xf32, #tpu.memory_space<vmem>>
    %dma_start3A_14 = arith.constant 0 : i32
    %dma_start3A_15 = tpu.memref_slice %arg11[%dma_start3A_10, %dma_start3A_14] : memref<4x128xi32, #tpu.memory_space<vmem>> -> memref<1x128xi32, #tpu.memory_space<vmem>>
    %dma_start3A_16 = tpu.memref_squeeze %dma_start3A_15 : memref<1x128xi32, #tpu.memory_space<vmem>> -> memref<128xi32, #tpu.memory_space<vmem>>
    %dma_start3A_17 = arith.constant 0 : i32
    %dma_start3A_18 = arith.constant 0 : i32
    %dma_start3A_19 = tpu.memref_slice %arg5[%dma_start3A_17, %dma_start3A_18] : memref<1000000x16xf32, #tpu.memory_space<hbm>> -> memref<1000000x16xf32, #tpu.memory_space<hbm>>
    tpu.enqueue_indirect_dma source(%dma_start3A_19 : memref<1000000x16xf32, #tpu.memory_space<hbm>>) target(%dma_start3A_13 : memref<128x16xf32, #tpu.memory_space<vmem>>) offsets(%dma_start3A_16 : memref<128xi32, #tpu.memory_space<vmem>>) semaphore(%arg17 : memref<!tpu.dma_semaphore, #tpu.memory_space<semaphore_mem>>)
    %dma_start3A_20 = arith.constant 1 : i32
    %dma_start3A_21 = arith.constant 128 : i32
    %dma_start3A_22 = arith.constant 0 : i32
    %dma_start3A_23 = tpu.memref_slice %arg12[%dma_start3A_21, %dma_start3A_22] : memref<512x16xf32, #tpu.memory_space<vmem>> -> memref<128x16xf32, #tpu.memory_space<vmem>>
    %dma_start3A_24 = arith.constant 0 : i32
    %dma_start3A_25 = tpu.memref_slice %arg10[%dma_start3A_20, %dma_start3A_24] : memref<4x128xi32, #tpu.memory_space<vmem>> -> memref<1x128xi32, #tpu.memory_space<vmem>>
    %dma_start3A_26 = tpu.memref_squeeze %dma_start3A_25 : memref<1x128xi32, #tpu.memory_space<vmem>> -> memref<128xi32, #tpu.memory_space<vmem>>
    %dma_start3A_27 = arith.constant 0 : i32
    %dma_start3A_28 = arith.constant 0 : i32
    %dma_start3A_29 = tpu.memref_slice %arg4[%dma_start3A_27, %dma_start3A_28] : memref<1000000x16xf32, #tpu.memory_space<hbm>> -> memref<1000000x16xf32, #tpu.memory_space<hbm>>
    tpu.enqueue_indirect_dma source(%dma_start3A_29 : memref<1000000x16xf32, #tpu.memory_space<hbm>>) target(%dma_start3A_23 : memref<128x16xf32, #tpu.memory_space<vmem>>) offsets(%dma_start3A_26 : memref<128xi32, #tpu.memory_space<vmem>>) semaphore(%arg17 : memref<!tpu.dma_semaphore, #tpu.memory_space<semaphore_mem>>)
    %dma_start3A_30 = arith.constant 1 : i32
    %dma_start3A_31 = arith.constant 128 : i32
    %dma_start3A_32 = arith.constant 0 : i32
    %dma_start3A_33 = tpu.memref_slice %arg13[%dma_start3A_31, %dma_start3A_32] : memref<512x16xf32, #tpu.memory_space<vmem>> -> memref<128x16xf32, #tpu.memory_space<vmem>>
    %dma_start3A_34 = arith.constant 0 : i32
    %dma_start3A_35 = tpu.memref_slice %arg11[%dma_start3A_30, %dma_start3A_34] : memref<4x128xi32, #tpu.memory_space<vmem>> -> memref<1x128xi32, #tpu.memory_space<vmem>>
    %dma_start3A_36 = tpu.memref_squeeze %dma_start3A_35 : memref<1x128xi32, #tpu.memory_space<vmem>> -> memref<128xi32, #tpu.memory_space<vmem>>
    %dma_start3A_37 = arith.constant 0 : i32
    %dma_start3A_38 = arith.constant 0 : i32
    %dma_start3A_39 = tpu.memref_slice %arg5[%dma_start3A_37, %dma_start3A_38] : memref<1000000x16xf32, #tpu.memory_space<hbm>> -> memref<1000000x16xf32, #tpu.memory_space<hbm>>
    tpu.enqueue_indirect_dma source(%dma_start3A_39 : memref<1000000x16xf32, #tpu.memory_space<hbm>>) target(%dma_start3A_33 : memref<128x16xf32, #tpu.memory_space<vmem>>) offsets(%dma_start3A_36 : memref<128xi32, #tpu.memory_space<vmem>>) semaphore(%arg17 : memref<!tpu.dma_semaphore, #tpu.memory_space<semaphore_mem>>)
    %dma_start3A_40 = arith.constant 2 : i32
    %dma_start3A_41 = arith.constant 256 : i32
    %dma_start3A_42 = arith.constant 0 : i32
    %dma_start3A_43 = tpu.memref_slice %arg12[%dma_start3A_41, %dma_start3A_42] : memref<512x16xf32, #tpu.memory_space<vmem>> -> memref<128x16xf32, #tpu.memory_space<vmem>>
    %dma_start3A_44 = arith.constant 0 : i32
    %dma_start3A_45 = tpu.memref_slice %arg10[%dma_start3A_40, %dma_start3A_44] : memref<4x128xi32, #tpu.memory_space<vmem>> -> memref<1x128xi32, #tpu.memory_space<vmem>>
    %dma_start3A_46 = tpu.memref_squeeze %dma_start3A_45 : memref<1x128xi32, #tpu.memory_space<vmem>> -> memref<128xi32, #tpu.memory_space<vmem>>
    %dma_start3A_47 = arith.constant 0 : i32
    %dma_start3A_48 = arith.constant 0 : i32
    %dma_start3A_49 = tpu.memref_slice %arg4[%dma_start3A_47, %dma_start3A_48] : memref<1000000x16xf32, #tpu.memory_space<hbm>> -> memref<1000000x16xf32, #tpu.memory_space<hbm>>
    tpu.enqueue_indirect_dma source(%dma_start3A_49 : memref<1000000x16xf32, #tpu.memory_space<hbm>>) target(%dma_start3A_43 : memref<128x16xf32, #tpu.memory_space<vmem>>) offsets(%dma_start3A_46 : memref<128xi32, #tpu.memory_space<vmem>>) semaphore(%arg17 : memref<!tpu.dma_semaphore, #tpu.memory_space<semaphore_mem>>)
    %dma_start3A_50 = arith.constant 2 : i32
    %dma_start3A_51 = arith.constant 256 : i32
    %dma_start3A_52 = arith.constant 0 : i32
    %dma_start3A_53 = tpu.memref_slice %arg13[%dma_start3A_51, %dma_start3A_52] : memref<512x16xf32, #tpu.memory_space<vmem>> -> memref<128x16xf32, #tpu.memory_space<vmem>>
    %dma_start3A_54 = arith.constant 0 : i32
    %dma_start3A_55 = tpu.memref_slice %arg11[%dma_start3A_50, %dma_start3A_54] : memref<4x128xi32, #tpu.memory_space<vmem>> -> memref<1x128xi32, #tpu.memory_space<vmem>>
    %dma_start3A_56 = tpu.memref_squeeze %dma_start3A_55 : memref<1x128xi32, #tpu.memory_space<vmem>> -> memref<128xi32, #tpu.memory_space<vmem>>
    %dma_start3A_57 = arith.constant 0 : i32
    %dma_start3A_58 = arith.constant 0 : i32
    %dma_start3A_59 = tpu.memref_slice %arg5[%dma_start3A_57, %dma_start3A_58] : memref<1000000x16xf32, #tpu.memory_space<hbm>> -> memref<1000000x16xf32, #tpu.memory_space<hbm>>
    tpu.enqueue_indirect_dma source(%dma_start3A_59 : memref<1000000x16xf32, #tpu.memory_space<hbm>>) target(%dma_start3A_53 : memref<128x16xf32, #tpu.memory_space<vmem>>) offsets(%dma_start3A_56 : memref<128xi32, #tpu.memory_space<vmem>>) semaphore(%arg17 : memref<!tpu.dma_semaphore, #tpu.memory_space<semaphore_mem>>)
    %dma_start3A_60 = arith.constant 3 : i32
    %dma_start3A_61 = arith.constant 384 : i32
    %dma_start3A_62 = arith.constant 0 : i32
    %dma_start3A_63 = tpu.memref_slice %arg12[%dma_start3A_61, %dma_start3A_62] : memref<512x16xf32, #tpu.memory_space<vmem>> -> memref<128x16xf32, #tpu.memory_space<vmem>>
    %dma_start3A_64 = arith.constant 0 : i32
    %dma_start3A_65 = tpu.memref_slice %arg10[%dma_start3A_60, %dma_start3A_64] : memref<4x128xi32, #tpu.memory_space<vmem>> -> memref<1x128xi32, #tpu.memory_space<vmem>>
    %dma_start3A_66 = tpu.memref_squeeze %dma_start3A_65 : memref<1x128xi32, #tpu.memory_space<vmem>> -> memref<128xi32, #tpu.memory_space<vmem>>
    %dma_start3A_67 = arith.constant 0 : i32
    %dma_start3A_68 = arith.constant 0 : i32
    %dma_start3A_69 = tpu.memref_slice %arg4[%dma_start3A_67, %dma_start3A_68] : memref<1000000x16xf32, #tpu.memory_space<hbm>> -> memref<1000000x16xf32, #tpu.memory_space<hbm>>
    tpu.enqueue_indirect_dma source(%dma_start3A_69 : memref<1000000x16xf32, #tpu.memory_space<hbm>>) target(%dma_start3A_63 : memref<128x16xf32, #tpu.memory_space<vmem>>) offsets(%dma_start3A_66 : memref<128xi32, #tpu.memory_space<vmem>>) semaphore(%arg17 : memref<!tpu.dma_semaphore, #tpu.memory_space<semaphore_mem>>)
    %dma_start3A_70 = arith.constant 3 : i32
    %dma_start3A_71 = arith.constant 384 : i32
    %dma_start3A_72 = arith.constant 0 : i32
    %dma_start3A_73 = tpu.memref_slice %arg13[%dma_start3A_71, %dma_start3A_72] : memref<512x16xf32, #tpu.memory_space<vmem>> -> memref<128x16xf32, #tpu.memory_space<vmem>>
    %dma_start3A_74 = arith.constant 0 : i32
    %dma_start3A_75 = tpu.memref_slice %arg11[%dma_start3A_70, %dma_start3A_74] : memref<4x128xi32, #tpu.memory_space<vmem>> -> memref<1x128xi32, #tpu.memory_space<vmem>>
    %dma_start3A_76 = tpu.memref_squeeze %dma_start3A_75 : memref<1x128xi32, #tpu.memory_space<vmem>> -> memref<128xi32, #tpu.memory_space<vmem>>
    %dma_start3A_77 = arith.constant 0 : i32
    %dma_start3A_78 = arith.constant 0 : i32
    %dma_start3A_79 = tpu.memref_slice %arg5[%dma_start3A_77, %dma_start3A_78] : memref<1000000x16xf32, #tpu.memory_space<hbm>> -> memref<1000000x16xf32, #tpu.memory_space<hbm>>
    tpu.enqueue_indirect_dma source(%dma_start3A_79 : memref<1000000x16xf32, #tpu.memory_space<hbm>>) target(%dma_start3A_73 : memref<128x16xf32, #tpu.memory_space<vmem>>) offsets(%dma_start3A_76 : memref<128xi32, #tpu.memory_space<vmem>>) semaphore(%arg17 : memref<!tpu.dma_semaphore, #tpu.memory_space<semaphore_mem>>)
    %dma_wait3A = arith.constant 0 : i32
    %dma_wait3A_80 = arith.constant 0 : i32
    %dma_wait3A_81 = arith.constant 0 : i32
    %dma_wait3A_82 = tpu.memref_slice %arg12[%dma_wait3A_80, %dma_wait3A_81] : memref<512x16xf32, #tpu.memory_space<vmem>> -> memref<128x16xf32, #tpu.memory_space<vmem>>
    %dma_wait3A_83 = arith.constant 0 : i32
    %dma_wait3A_84 = tpu.memref_slice %arg10[%dma_wait3A, %dma_wait3A_83] : memref<4x128xi32, #tpu.memory_space<vmem>> -> memref<1x128xi32, #tpu.memory_space<vmem>>
    %dma_wait3A_85 = tpu.memref_squeeze %dma_wait3A_84 : memref<1x128xi32, #tpu.memory_space<vmem>> -> memref<128xi32, #tpu.memory_space<vmem>>
    %dma_wait3A_86 = arith.constant 0 : i32
    %dma_wait3A_87 = arith.constant 0 : i32
    %dma_wait3A_88 = tpu.memref_slice %arg4[%dma_wait3A_86, %dma_wait3A_87] : memref<1000000x16xf32, #tpu.memory_space<hbm>> -> memref<1000000x16xf32, #tpu.memory_space<hbm>>
    tpu.wait_indirect_dma semaphore(%arg17 : memref<!tpu.dma_semaphore, #tpu.memory_space<semaphore_mem>>) src(%dma_wait3A_88 : memref<1000000x16xf32, #tpu.memory_space<hbm>>) dst(%dma_wait3A_82 : memref<128x16xf32, #tpu.memory_space<vmem>>)
    %dma_wait3A_89 = arith.constant 0 : i32
    %dma_wait3A_90 = arith.constant 0 : i32
    %dma_wait3A_91 = arith.constant 0 : i32
    %dma_wait3A_92 = tpu.memref_slice %arg13[%dma_wait3A_90, %dma_wait3A_91] : memref<512x16xf32, #tpu.memory_space<vmem>> -> memref<128x16xf32, #tpu.memory_space<vmem>>
    %dma_wait3A_93 = arith.constant 0 : i32
    %dma_wait3A_94 = tpu.memref_slice %arg11[%dma_wait3A_89, %dma_wait3A_93] : memref<4x128xi32, #tpu.memory_space<vmem>> -> memref<1x128xi32, #tpu.memory_space<vmem>>
    %dma_wait3A_95 = tpu.memref_squeeze %dma_wait3A_94 : memref<1x128xi32, #tpu.memory_space<vmem>> -> memref<128xi32, #tpu.memory_space<vmem>>
    %dma_wait3A_96 = arith.constant 0 : i32
    %dma_wait3A_97 = arith.constant 0 : i32
    %dma_wait3A_98 = tpu.memref_slice %arg5[%dma_wait3A_96, %dma_wait3A_97] : memref<1000000x16xf32, #tpu.memory_space<hbm>> -> memref<1000000x16xf32, #tpu.memory_space<hbm>>
    tpu.wait_indirect_dma semaphore(%arg17 : memref<!tpu.dma_semaphore, #tpu.memory_space<semaphore_mem>>) src(%dma_wait3A_98 : memref<1000000x16xf32, #tpu.memory_space<hbm>>) dst(%dma_wait3A_92 : memref<128x16xf32, #tpu.memory_space<vmem>>)
    %dma_wait3A_99 = arith.constant 1 : i32
    %dma_wait3A_100 = arith.constant 128 : i32
    %dma_wait3A_101 = arith.constant 0 : i32
    %dma_wait3A_102 = tpu.memref_slice %arg12[%dma_wait3A_100, %dma_wait3A_101] : memref<512x16xf32, #tpu.memory_space<vmem>> -> memref<128x16xf32, #tpu.memory_space<vmem>>
    %dma_wait3A_103 = arith.constant 0 : i32
    %dma_wait3A_104 = tpu.memref_slice %arg10[%dma_wait3A_99, %dma_wait3A_103] : memref<4x128xi32, #tpu.memory_space<vmem>> -> memref<1x128xi32, #tpu.memory_space<vmem>>
    %dma_wait3A_105 = tpu.memref_squeeze %dma_wait3A_104 : memref<1x128xi32, #tpu.memory_space<vmem>> -> memref<128xi32, #tpu.memory_space<vmem>>
    %dma_wait3A_106 = arith.constant 0 : i32
    %dma_wait3A_107 = arith.constant 0 : i32
    %dma_wait3A_108 = tpu.memref_slice %arg4[%dma_wait3A_106, %dma_wait3A_107] : memref<1000000x16xf32, #tpu.memory_space<hbm>> -> memref<1000000x16xf32, #tpu.memory_space<hbm>>
    tpu.wait_indirect_dma semaphore(%arg17 : memref<!tpu.dma_semaphore, #tpu.memory_space<semaphore_mem>>) src(%dma_wait3A_108 : memref<1000000x16xf32, #tpu.memory_space<hbm>>) dst(%dma_wait3A_102 : memref<128x16xf32, #tpu.memory_space<vmem>>)
    %dma_wait3A_109 = arith.constant 1 : i32
    %dma_wait3A_110 = arith.constant 128 : i32
    %dma_wait3A_111 = arith.constant 0 : i32
    %dma_wait3A_112 = tpu.memref_slice %arg13[%dma_wait3A_110, %dma_wait3A_111] : memref<512x16xf32, #tpu.memory_space<vmem>> -> memref<128x16xf32, #tpu.memory_space<vmem>>
    %dma_wait3A_113 = arith.constant 0 : i32
    %dma_wait3A_114 = tpu.memref_slice %arg11[%dma_wait3A_109, %dma_wait3A_113] : memref<4x128xi32, #tpu.memory_space<vmem>> -> memref<1x128xi32, #tpu.memory_space<vmem>>
    %dma_wait3A_115 = tpu.memref_squeeze %dma_wait3A_114 : memref<1x128xi32, #tpu.memory_space<vmem>> -> memref<128xi32, #tpu.memory_space<vmem>>
    %dma_wait3A_116 = arith.constant 0 : i32
    %dma_wait3A_117 = arith.constant 0 : i32
    %dma_wait3A_118 = tpu.memref_slice %arg5[%dma_wait3A_116, %dma_wait3A_117] : memref<1000000x16xf32, #tpu.memory_space<hbm>> -> memref<1000000x16xf32, #tpu.memory_space<hbm>>
    tpu.wait_indirect_dma semaphore(%arg17 : memref<!tpu.dma_semaphore, #tpu.memory_space<semaphore_mem>>) src(%dma_wait3A_118 : memref<1000000x16xf32, #tpu.memory_space<hbm>>) dst(%dma_wait3A_112 : memref<128x16xf32, #tpu.memory_space<vmem>>)
    %dma_wait3A_119 = arith.constant 2 : i32
    %dma_wait3A_120 = arith.constant 256 : i32
    %dma_wait3A_121 = arith.constant 0 : i32
    %dma_wait3A_122 = tpu.memref_slice %arg12[%dma_wait3A_120, %dma_wait3A_121] : memref<512x16xf32, #tpu.memory_space<vmem>> -> memref<128x16xf32, #tpu.memory_space<vmem>>
    %dma_wait3A_123 = arith.constant 0 : i32
    %dma_wait3A_124 = tpu.memref_slice %arg10[%dma_wait3A_119, %dma_wait3A_123] : memref<4x128xi32, #tpu.memory_space<vmem>> -> memref<1x128xi32, #tpu.memory_space<vmem>>
    %dma_wait3A_125 = tpu.memref_squeeze %dma_wait3A_124 : memref<1x128xi32, #tpu.memory_space<vmem>> -> memref<128xi32, #tpu.memory_space<vmem>>
    %dma_wait3A_126 = arith.constant 0 : i32
    %dma_wait3A_127 = arith.constant 0 : i32
    %dma_wait3A_128 = tpu.memref_slice %arg4[%dma_wait3A_126, %dma_wait3A_127] : memref<1000000x16xf32, #tpu.memory_space<hbm>> -> memref<1000000x16xf32, #tpu.memory_space<hbm>>
    tpu.wait_indirect_dma semaphore(%arg17 : memref<!tpu.dma_semaphore, #tpu.memory_space<semaphore_mem>>) src(%dma_wait3A_128 : memref<1000000x16xf32, #tpu.memory_space<hbm>>) dst(%dma_wait3A_122 : memref<128x16xf32, #tpu.memory_space<vmem>>)
    %dma_wait3A_129 = arith.constant 2 : i32
    %dma_wait3A_130 = arith.constant 256 : i32
    %dma_wait3A_131 = arith.constant 0 : i32
    %dma_wait3A_132 = tpu.memref_slice %arg13[%dma_wait3A_130, %dma_wait3A_131] : memref<512x16xf32, #tpu.memory_space<vmem>> -> memref<128x16xf32, #tpu.memory_space<vmem>>
    %dma_wait3A_133 = arith.constant 0 : i32
    %dma_wait3A_134 = tpu.memref_slice %arg11[%dma_wait3A_129, %dma_wait3A_133] : memref<4x128xi32, #tpu.memory_space<vmem>> -> memref<1x128xi32, #tpu.memory_space<vmem>>
    %dma_wait3A_135 = tpu.memref_squeeze %dma_wait3A_134 : memref<1x128xi32, #tpu.memory_space<vmem>> -> memref<128xi32, #tpu.memory_space<vmem>>
    %dma_wait3A_136 = arith.constant 0 : i32
    %dma_wait3A_137 = arith.constant 0 : i32
    %dma_wait3A_138 = tpu.memref_slice %arg5[%dma_wait3A_136, %dma_wait3A_137] : memref<1000000x16xf32, #tpu.memory_space<hbm>> -> memref<1000000x16xf32, #tpu.memory_space<hbm>>
    tpu.wait_indirect_dma semaphore(%arg17 : memref<!tpu.dma_semaphore, #tpu.memory_space<semaphore_mem>>) src(%dma_wait3A_138 : memref<1000000x16xf32, #tpu.memory_space<hbm>>) dst(%dma_wait3A_132 : memref<128x16xf32, #tpu.memory_space<vmem>>)
    %dma_wait3A_139 = arith.constant 3 : i32
    %dma_wait3A_140 = arith.constant 384 : i32
    %dma_wait3A_141 = arith.constant 0 : i32
    %dma_wait3A_142 = tpu.memref_slice %arg12[%dma_wait3A_140, %dma_wait3A_141] : memref<512x16xf32, #tpu.memory_space<vmem>> -> memref<128x16xf32, #tpu.memory_space<vmem>>
    %dma_wait3A_143 = arith.constant 0 : i32
    %dma_wait3A_144 = tpu.memref_slice %arg10[%dma_wait3A_139, %dma_wait3A_143] : memref<4x128xi32, #tpu.memory_space<vmem>> -> memref<1x128xi32, #tpu.memory_space<vmem>>
    %dma_wait3A_145 = tpu.memref_squeeze %dma_wait3A_144 : memref<1x128xi32, #tpu.memory_space<vmem>> -> memref<128xi32, #tpu.memory_space<vmem>>
    %dma_wait3A_146 = arith.constant 0 : i32
    %dma_wait3A_147 = arith.constant 0 : i32
    %dma_wait3A_148 = tpu.memref_slice %arg4[%dma_wait3A_146, %dma_wait3A_147] : memref<1000000x16xf32, #tpu.memory_space<hbm>> -> memref<1000000x16xf32, #tpu.memory_space<hbm>>
    tpu.wait_indirect_dma semaphore(%arg17 : memref<!tpu.dma_semaphore, #tpu.memory_space<semaphore_mem>>) src(%dma_wait3A_148 : memref<1000000x16xf32, #tpu.memory_space<hbm>>) dst(%dma_wait3A_142 : memref<128x16xf32, #tpu.memory_space<vmem>>)
    %dma_wait3A_149 = arith.constant 3 : i32
    %dma_wait3A_150 = arith.constant 384 : i32
    %dma_wait3A_151 = arith.constant 0 : i32
    %dma_wait3A_152 = tpu.memref_slice %arg13[%dma_wait3A_150, %dma_wait3A_151] : memref<512x16xf32, #tpu.memory_space<vmem>> -> memref<128x16xf32, #tpu.memory_space<vmem>>
    %dma_wait3A_153 = arith.constant 0 : i32
    %dma_wait3A_154 = tpu.memref_slice %arg11[%dma_wait3A_149, %dma_wait3A_153] : memref<4x128xi32, #tpu.memory_space<vmem>> -> memref<1x128xi32, #tpu.memory_space<vmem>>
    %dma_wait3A_155 = tpu.memref_squeeze %dma_wait3A_154 : memref<1x128xi32, #tpu.memory_space<vmem>> -> memref<128xi32, #tpu.memory_space<vmem>>
    %dma_wait3A_156 = arith.constant 0 : i32
    %dma_wait3A_157 = arith.constant 0 : i32
    %dma_wait3A_158 = tpu.memref_slice %arg5[%dma_wait3A_156, %dma_wait3A_157] : memref<1000000x16xf32, #tpu.memory_space<hbm>> -> memref<1000000x16xf32, #tpu.memory_space<hbm>>
    tpu.wait_indirect_dma semaphore(%arg17 : memref<!tpu.dma_semaphore, #tpu.memory_space<semaphore_mem>>) src(%dma_wait3A_158 : memref<1000000x16xf32, #tpu.memory_space<hbm>>) dst(%dma_wait3A_152 : memref<128x16xf32, #tpu.memory_space<vmem>>)
    %get3A = arith.constant 0 : index
    %get3A_159 = tpu.vector_load %arg14[%get3A] {strides = array<i32>} : memref<16xf32, #tpu.memory_space<vmem>>, vector<16xf32>,
    %get3A_160 = vector.shape_cast %get3A_159 : vector<16xf32> to vector<16xf32>
    %broadcast_in_dim3A = arith.constant 0.000000e+00 : f32
    %broadcast_in_dim3A_161 = vector.broadcast %broadcast_in_dim3A : f32 to vector<16xf32>
    %iota3A = tpu.iota {dimensions = array<i32: 0>} : vector<16xi32>
    %eq3A = arith.constant 0 : i32
    %eq3A_162 = vector.broadcast %eq3A : i32 to vector<16xi32>
    %eq3A_163 = arith.cmpi eq, %iota3A, %eq3A_162 : vector<16xi32>
    %eq3A_164 = arith.constant 1 : i32
    %eq3A_165 = vector.broadcast %eq3A_164 : i32 to vector<16xi32>
    %eq3A_166 = arith.cmpi eq, %iota3A, %eq3A_165 : vector<16xi32>
    %eq3A_167 = arith.constant 2 : i32
    %eq3A_168 = vector.broadcast %eq3A_167 : i32 to vector<16xi32>
    %eq3A_169 = arith.cmpi eq, %iota3A, %eq3A_168 : vector<16xi32>
    %eq3A_170 = arith.constant 3 : i32
    %eq3A_171 = vector.broadcast %eq3A_170 : i32 to vector<16xi32>
    %eq3A_172 = arith.cmpi eq, %iota3A, %eq3A_171 : vector<16xi32>
    %eq3A_173 = arith.constant 4 : i32
    %eq3A_174 = vector.broadcast %eq3A_173 : i32 to vector<16xi32>
    %eq3A_175 = arith.cmpi eq, %iota3A, %eq3A_174 : vector<16xi32>
    %eq3A_176 = arith.constant 5 : i32
    %eq3A_177 = vector.broadcast %eq3A_176 : i32 to vector<16xi32>
    %eq3A_178 = arith.cmpi eq, %iota3A, %eq3A_177 : vector<16xi32>
    %eq3A_179 = arith.constant 6 : i32
    %eq3A_180 = vector.broadcast %eq3A_179 : i32 to vector<16xi32>
    %eq3A_181 = arith.cmpi eq, %iota3A, %eq3A_180 : vector<16xi32>
    %eq3A_182 = arith.constant 7 : i32
    %eq3A_183 = vector.broadcast %eq3A_182 : i32 to vector<16xi32>
    %eq3A_184 = arith.cmpi eq, %iota3A, %eq3A_183 : vector<16xi32>
    %eq3A_185 = arith.constant 8 : i32
    %eq3A_186 = vector.broadcast %eq3A_185 : i32 to vector<16xi32>
    %eq3A_187 = arith.cmpi eq, %iota3A, %eq3A_186 : vector<16xi32>
    %eq3A_188 = arith.constant 9 : i32
    %eq3A_189 = vector.broadcast %eq3A_188 : i32 to vector<16xi32>
    %eq3A_190 = arith.cmpi eq, %iota3A, %eq3A_189 : vector<16xi32>
    %eq3A_191 = arith.constant 10 : i32
    %eq3A_192 = vector.broadcast %eq3A_191 : i32 to vector<16xi32>
    %eq3A_193 = arith.cmpi eq, %iota3A, %eq3A_192 : vector<16xi32>
    %eq3A_194 = arith.constant 11 : i32
    %eq3A_195 = vector.broadcast %eq3A_194 : i32 to vector<16xi32>
    %eq3A_196 = arith.cmpi eq, %iota3A, %eq3A_195 : vector<16xi32>
    %eq3A_197 = arith.constant 12 : i32
    %eq3A_198 = vector.broadcast %eq3A_197 : i32 to vector<16xi32>
    %eq3A_199 = arith.cmpi eq, %iota3A, %eq3A_198 : vector<16xi32>
    %eq3A_200 = arith.constant 13 : i32
    %eq3A_201 = vector.broadcast %eq3A_200 : i32 to vector<16xi32>
    %eq3A_202 = arith.cmpi eq, %iota3A, %eq3A_201 : vector<16xi32>
    %eq3A_203 = arith.constant 14 : i32
    %eq3A_204 = vector.broadcast %eq3A_203 : i32 to vector<16xi32>
    %eq3A_205 = arith.cmpi eq, %iota3A, %eq3A_204 : vector<16xi32>
    %eq3A_206 = arith.constant 15 : i32
    %eq3A_207 = vector.broadcast %eq3A_206 : i32 to vector<16xi32>
    %eq3A_208 = arith.cmpi eq, %iota3A, %eq3A_207 : vector<16xi32>
    %xor3A = arith.constant 1 : i32
    %xor3A_209 = vector.broadcast %xor3A : i32 to vector<16xi32>
    %xor3A_210 = arith.xori %iota3A, %xor3A_209 : vector<16xi32>
    %xor3A_211 = arith.constant 2 : i32
    %xor3A_212 = vector.broadcast %xor3A_211 : i32 to vector<16xi32>
    %xor3A_213 = arith.xori %iota3A, %xor3A_212 : vector<16xi32>
    %xor3A_214 = arith.constant 4 : i32
    %xor3A_215 = vector.broadcast %xor3A_214 : i32 to vector<16xi32>
    %xor3A_216 = arith.xori %iota3A, %xor3A_215 : vector<16xi32>
    %xor3A_217 = arith.constant 8 : i32
    %xor3A_218 = vector.broadcast %xor3A_217 : i32 to vector<16xi32>
    %xor3A_219 = arith.xori %iota3A, %xor3A_218 : vector<16xi32>
    %scan3A = arith.constant 0 : i32
    %scan3A_220 = arith.constant 32 : i32
    %scan3A_221 = arith.addi %scan3A, %scan3A_220 : i32
    %scan3A_222 = arith.constant 1 : i32
    %scan3A_223:2 = scf.for %scan3A_237 = %scan3A to %scan3A_221 step %scan3A_222 iter_args(%scan3A_238 = %broadcast_in_dim3A_161, %scan3A_239 = %broadcast_in_dim3A_161) -> (vector<16xf32>, vector<16xf32>)  : i32 {
      %mul3A_240 = arith.constant 16 : i32
      %mul3A_241 = arith.muli %scan3A_237, %mul3A_240 : i32
      %add3A_242 = arith.constant 0 : i32
      %add3A_243 = arith.addi %mul3A_241, %add3A_242 : i32
      %get3A_244 = arith.index_cast %add3A_243 : i32 to index
      %get3A_245 = arith.constant 0 : index
      %get3A_246 = tpu.vector_load %arg12[%get3A_244, %get3A_245] {strides = array<i32>} : memref<512x16xf32, #tpu.memory_space<vmem>>, vector<1x16xf32>,
      %get3A_247 = vector.shape_cast %get3A_246 : vector<1x16xf32> to vector<16xf32>
      %add3A_248 = arith.constant 0 : i32
      %add3A_249 = arith.addi %mul3A_241, %add3A_248 : i32
      %get3A_250 = arith.index_cast %add3A_249 : i32 to index
      %get3A_251 = arith.constant 0 : index
      %get3A_252 = tpu.vector_load %arg13[%get3A_250, %get3A_251] {strides = array<i32>} : memref<512x16xf32, #tpu.memory_space<vmem>>, vector<1x16xf32>,
      %get3A_253 = vector.shape_cast %get3A_252 : vector<1x16xf32> to vector<16xf32>
      %mul3A_254 = arith.mulf %get3A_247, %get3A_247 : vector<16xf32>
      %add3A_255 = arith.addf %scan3A_238, %mul3A_254 : vector<16xf32>
      %mul3A_256 = arith.mulf %get3A_253, %get3A_253 : vector<16xf32>
      %add3A_257 = arith.addf %scan3A_239, %mul3A_256 : vector<16xf32>
      %mul3A_258 = arith.mulf %get3A_247, %get3A_253 : vector<16xf32>
      %mul3A_259 = arith.mulf %mul3A_258, %get3A_160 : vector<16xf32>
      %broadcast_in_dim3A_260 = vector.shape_cast %xor3A_210 : vector<16xi32> to vector<16x1xi32>
      %gather3A = vector.shape_cast %broadcast_in_dim3A_260 : vector<16x1xi32> to vector<16xi32>
      %gather3A_261 = tpu.dynamic_gather %mul3A_259[%gather3A] in [0] : vector<16xf32>, vector<16xi32> -> vector<16xf32>
      %add3A_262 = arith.addf %mul3A_259, %gather3A_261 : vector<16xf32>
      %broadcast_in_dim3A_263 = vector.shape_cast %xor3A_213 : vector<16xi32> to vector<16x1xi32>
      %gather3A_264 = vector.shape_cast %broadcast_in_dim3A_263 : vector<16x1xi32> to vector<16xi32>
      %gather3A_265 = tpu.dynamic_gather %add3A_262[%gather3A_264] in [0] : vector<16xf32>, vector<16xi32> -> vector<16xf32>
      %add3A_266 = arith.addf %add3A_262, %gather3A_265 : vector<16xf32>
      %broadcast_in_dim3A_267 = vector.shape_cast %xor3A_216 : vector<16xi32> to vector<16x1xi32>
      %gather3A_268 = vector.shape_cast %broadcast_in_dim3A_267 : vector<16x1xi32> to vector<16xi32>
      %gather3A_269 = tpu.dynamic_gather %add3A_266[%gather3A_268] in [0] : vector<16xf32>, vector<16xi32> -> vector<16xf32>
      %add3A_270 = arith.addf %add3A_266, %gather3A_269 : vector<16xf32>
      %broadcast_in_dim3A_271 = vector.shape_cast %xor3A_219 : vector<16xi32> to vector<16x1xi32>
      %gather3A_272 = vector.shape_cast %broadcast_in_dim3A_271 : vector<16x1xi32> to vector<16xi32>
      %gather3A_273 = tpu.dynamic_gather %add3A_270[%gather3A_272] in [0] : vector<16xf32>, vector<16xi32> -> vector<16xf32>
      %add3A_274 = arith.addf %add3A_270, %gather3A_273 : vector<16xf32>
      %select_n3A = arith.select %eq3A_163, %add3A_274, %broadcast_in_dim3A_161 : vector<16xi1>, vector<16xf32>
      %add3A_275 = arith.constant 1 : i32
      %add3A_276 = arith.addi %mul3A_241, %add3A_275 : i32
      %get3A_277 = arith.index_cast %add3A_276 : i32 to index
      %get3A_278 = arith.constant 0 : index
      %get3A_279 = tpu.vector_load %arg12[%get3A_277, %get3A_278] {strides = array<i32>} : memref<512x16xf32, #tpu.memory_space<vmem>>, vector<1x16xf32>,
      %get3A_280 = vector.shape_cast %get3A_279 : vector<1x16xf32> to vector<16xf32>
      %add3A_281 = arith.constant 1 : i32
      %add3A_282 = arith.addi %mul3A_241, %add3A_281 : i32
      %get3A_283 = arith.index_cast %add3A_282 : i32 to index
      %get3A_284 = arith.constant 0 : index
      %get3A_285 = tpu.vector_load %arg13[%get3A_283, %get3A_284] {strides = array<i32>} : memref<512x16xf32, #tpu.memory_space<vmem>>, vector<1x16xf32>,
      %get3A_286 = vector.shape_cast %get3A_285 : vector<1x16xf32> to vector<16xf32>
      %mul3A_287 = arith.mulf %get3A_280, %get3A_280 : vector<16xf32>
      %add3A_288 = arith.addf %add3A_255, %mul3A_287 : vector<16xf32>
      %mul3A_289 = arith.mulf %get3A_286, %get3A_286 : vector<16xf32>
      %add3A_290 = arith.addf %add3A_257, %mul3A_289 : vector<16xf32>
      %mul3A_291 = arith.mulf %get3A_280, %get3A_286 : vector<16xf32>
      %mul3A_292 = arith.mulf %mul3A_291, %get3A_160 : vector<16xf32>
      %broadcast_in_dim3A_293 = vector.shape_cast %xor3A_210 : vector<16xi32> to vector<16x1xi32>
      %gather3A_294 = vector.shape_cast %broadcast_in_dim3A_293 : vector<16x1xi32> to vector<16xi32>
      %gather3A_295 = tpu.dynamic_gather %mul3A_292[%gather3A_294] in [0] : vector<16xf32>, vector<16xi32> -> vector<16xf32>
      %add3A_296 = arith.addf %mul3A_292, %gather3A_295 : vector<16xf32>
      %broadcast_in_dim3A_297 = vector.shape_cast %xor3A_213 : vector<16xi32> to vector<16x1xi32>
      %gather3A_298 = vector.shape_cast %broadcast_in_dim3A_297 : vector<16x1xi32> to vector<16xi32>
      %gather3A_299 = tpu.dynamic_gather %add3A_296[%gather3A_298] in [0] : vector<16xf32>, vector<16xi32> -> vector<16xf32>
      %add3A_300 = arith.addf %add3A_296, %gather3A_299 : vector<16xf32>
      %broadcast_in_dim3A_301 = vector.shape_cast %xor3A_216 : vector<16xi32> to vector<16x1xi32>
      %gather3A_302 = vector.shape_cast %broadcast_in_dim3A_301 : vector<16x1xi32> to vector<16xi32>
      %gather3A_303 = tpu.dynamic_gather %add3A_300[%gather3A_302] in [0] : vector<16xf32>, vector<16xi32> -> vector<16xf32>
      %add3A_304 = arith.addf %add3A_300, %gather3A_303 : vector<16xf32>
      %broadcast_in_dim3A_305 = vector.shape_cast %xor3A_219 : vector<16xi32> to vector<16x1xi32>
      %gather3A_306 = vector.shape_cast %broadcast_in_dim3A_305 : vector<16x1xi32> to vector<16xi32>
      %gather3A_307 = tpu.dynamic_gather %add3A_304[%gather3A_306] in [0] : vector<16xf32>, vector<16xi32> -> vector<16xf32>
      %add3A_308 = arith.addf %add3A_304, %gather3A_307 : vector<16xf32>
      %select_n3A_309 = arith.select %eq3A_166, %add3A_308, %select_n3A : vector<16xi1>, vector<16xf32>
      %add3A_310 = arith.constant 2 : i32
      %add3A_311 = arith.addi %mul3A_241, %add3A_310 : i32
      %get3A_312 = arith.index_cast %add3A_311 : i32 to index
      %get3A_313 = arith.constant 0 : index
      %get3A_314 = tpu.vector_load %arg12[%get3A_312, %get3A_313] {strides = array<i32>} : memref<512x16xf32, #tpu.memory_space<vmem>>, vector<1x16xf32>,
      %get3A_315 = vector.shape_cast %get3A_314 : vector<1x16xf32> to vector<16xf32>
      %add3A_316 = arith.constant 2 : i32
      %add3A_317 = arith.addi %mul3A_241, %add3A_316 : i32
      %get3A_318 = arith.index_cast %add3A_317 : i32 to index
      %get3A_319 = arith.constant 0 : index
      %get3A_320 = tpu.vector_load %arg13[%get3A_318, %get3A_319] {strides = array<i32>} : memref<512x16xf32, #tpu.memory_space<vmem>>, vector<1x16xf32>,
      %get3A_321 = vector.shape_cast %get3A_320 : vector<1x16xf32> to vector<16xf32>
      %mul3A_322 = arith.mulf %get3A_315, %get3A_315 : vector<16xf32>
      %add3A_323 = arith.addf %add3A_288, %mul3A_322 : vector<16xf32>
      %mul3A_324 = arith.mulf %get3A_321, %get3A_321 : vector<16xf32>
      %add3A_325 = arith.addf %add3A_290, %mul3A_324 : vector<16xf32>
      %mul3A_326 = arith.mulf %get3A_315, %get3A_321 : vector<16xf32>
      %mul3A_327 = arith.mulf %mul3A_326, %get3A_160 : vector<16xf32>
      %broadcast_in_dim3A_328 = vector.shape_cast %xor3A_210 : vector<16xi32> to vector<16x1xi32>
      %gather3A_329 = vector.shape_cast %broadcast_in_dim3A_328 : vector<16x1xi32> to vector<16xi32>
      %gather3A_330 = tpu.dynamic_gather %mul3A_327[%gather3A_329] in [0] : vector<16xf32>, vector<16xi32> -> vector<16xf32>
      %add3A_331 = arith.addf %mul3A_327, %gather3A_330 : vector<16xf32>
      %broadcast_in_dim3A_332 = vector.shape_cast %xor3A_213 : vector<16xi32> to vector<16x1xi32>
      %gather3A_333 = vector.shape_cast %broadcast_in_dim3A_332 : vector<16x1xi32> to vector<16xi32>
      %gather3A_334 = tpu.dynamic_gather %add3A_331[%gather3A_333] in [0] : vector<16xf32>, vector<16xi32> -> vector<16xf32>
      %add3A_335 = arith.addf %add3A_331, %gather3A_334 : vector<16xf32>
      %broadcast_in_dim3A_336 = vector.shape_cast %xor3A_216 : vector<16xi32> to vector<16x1xi32>
      %gather3A_337 = vector.shape_cast %broadcast_in_dim3A_336 : vector<16x1xi32> to vector<16xi32>
      %gather3A_338 = tpu.dynamic_gather %add3A_335[%gather3A_337] in [0] : vector<16xf32>, vector<16xi32> -> vector<16xf32>
      %add3A_339 = arith.addf %add3A_335, %gather3A_338 : vector<16xf32>
      %broadcast_in_dim3A_340 = vector.shape_cast %xor3A_219 : vector<16xi32> to vector<16x1xi32>
      %gather3A_341 = vector.shape_cast %broadcast_in_dim3A_340 : vector<16x1xi32> to vector<16xi32>
      %gather3A_342 = tpu.dynamic_gather %add3A_339[%gather3A_341] in [0] : vector<16xf32>, vector<16xi32> -> vector<16xf32>
      %add3A_343 = arith.addf %add3A_339, %gather3A_342 : vector<16xf32>
      %select_n3A_344 = arith.select %eq3A_169, %add3A_343, %select_n3A_309 : vector<16xi1>, vector<16xf32>
      %add3A_345 = arith.constant 3 : i32
      %add3A_346 = arith.addi %mul3A_241, %add3A_345 : i32
      %get3A_347 = arith.index_cast %add3A_346 : i32 to index
      %get3A_348 = arith.constant 0 : index
      %get3A_349 = tpu.vector_load %arg12[%get3A_347, %get3A_348] {strides = array<i32>} : memref<512x16xf32, #tpu.memory_space<vmem>>, vector<1x16xf32>,
      %get3A_350 = vector.shape_cast %get3A_349 : vector<1x16xf32> to vector<16xf32>
      %add3A_351 = arith.constant 3 : i32
      %add3A_352 = arith.addi %mul3A_241, %add3A_351 : i32
      %get3A_353 = arith.index_cast %add3A_352 : i32 to index
      %get3A_354 = arith.constant 0 : index
      %get3A_355 = tpu.vector_load %arg13[%get3A_353, %get3A_354] {strides = array<i32>} : memref<512x16xf32, #tpu.memory_space<vmem>>, vector<1x16xf32>,
      %get3A_356 = vector.shape_cast %get3A_355 : vector<1x16xf32> to vector<16xf32>
      %mul3A_357 = arith.mulf %get3A_350, %get3A_350 : vector<16xf32>
      %add3A_358 = arith.addf %add3A_323, %mul3A_357 : vector<16xf32>
      %mul3A_359 = arith.mulf %get3A_356, %get3A_356 : vector<16xf32>
      %add3A_360 = arith.addf %add3A_325, %mul3A_359 : vector<16xf32>
      %mul3A_361 = arith.mulf %get3A_350, %get3A_356 : vector<16xf32>
      %mul3A_362 = arith.mulf %mul3A_361, %get3A_160 : vector<16xf32>
      %broadcast_in_dim3A_363 = vector.shape_cast %xor3A_210 : vector<16xi32> to vector<16x1xi32>
      %gather3A_364 = vector.shape_cast %broadcast_in_dim3A_363 : vector<16x1xi32> to vector<16xi32>
      %gather3A_365 = tpu.dynamic_gather %mul3A_362[%gather3A_364] in [0] : vector<16xf32>, vector<16xi32> -> vector<16xf32>
      %add3A_366 = arith.addf %mul3A_362, %gather3A_365 : vector<16xf32>
      %broadcast_in_dim3A_367 = vector.shape_cast %xor3A_213 : vector<16xi32> to vector<16x1xi32>
      %gather3A_368 = vector.shape_cast %broadcast_in_dim3A_367 : vector<16x1xi32> to vector<16xi32>
      %gather3A_369 = tpu.dynamic_gather %add3A_366[%gather3A_368] in [0] : vector<16xf32>, vector<16xi32> -> vector<16xf32>
      %add3A_370 = arith.addf %add3A_366, %gather3A_369 : vector<16xf32>
      %broadcast_in_dim3A_371 = vector.shape_cast %xor3A_216 : vector<16xi32> to vector<16x1xi32>
      %gather3A_372 = vector.shape_cast %broadcast_in_dim3A_371 : vector<16x1xi32> to vector<16xi32>
      %gather3A_373 = tpu.dynamic_gather %add3A_370[%gather3A_372] in [0] : vector<16xf32>, vector<16xi32> -> vector<16xf32>
      %add3A_374 = arith.addf %add3A_370, %gather3A_373 : vector<16xf32>
      %broadcast_in_dim3A_375 = vector.shape_cast %xor3A_219 : vector<16xi32> to vector<16x1xi32>
      %gather3A_376 = vector.shape_cast %broadcast_in_dim3A_375 : vector<16x1xi32> to vector<16xi32>
      %gather3A_377 = tpu.dynamic_gather %add3A_374[%gather3A_376] in [0] : vector<16xf32>, vector<16xi32> -> vector<16xf32>
      %add3A_378 = arith.addf %add3A_374, %gather3A_377 : vector<16xf32>
      %select_n3A_379 = arith.select %eq3A_172, %add3A_378, %select_n3A_344 : vector<16xi1>, vector<16xf32>
      %add3A_380 = arith.constant 4 : i32
      %add3A_381 = arith.addi %mul3A_241, %add3A_380 : i32
      %get3A_382 = arith.index_cast %add3A_381 : i32 to index
      %get3A_383 = arith.constant 0 : index
      %get3A_384 = tpu.vector_load %arg12[%get3A_382, %get3A_383] {strides = array<i32>} : memref<512x16xf32, #tpu.memory_space<vmem>>, vector<1x16xf32>,
      %get3A_385 = vector.shape_cast %get3A_384 : vector<1x16xf32> to vector<16xf32>
      %add3A_386 = arith.constant 4 : i32
      %add3A_387 = arith.addi %mul3A_241, %add3A_386 : i32
      %get3A_388 = arith.index_cast %add3A_387 : i32 to index
      %get3A_389 = arith.constant 0 : index
      %get3A_390 = tpu.vector_load %arg13[%get3A_388, %get3A_389] {strides = array<i32>} : memref<512x16xf32, #tpu.memory_space<vmem>>, vector<1x16xf32>,
      %get3A_391 = vector.shape_cast %get3A_390 : vector<1x16xf32> to vector<16xf32>
      %mul3A_392 = arith.mulf %get3A_385, %get3A_385 : vector<16xf32>
      %add3A_393 = arith.addf %add3A_358, %mul3A_392 : vector<16xf32>
      %mul3A_394 = arith.mulf %get3A_391, %get3A_391 : vector<16xf32>
      %add3A_395 = arith.addf %add3A_360, %mul3A_394 : vector<16xf32>
      %mul3A_396 = arith.mulf %get3A_385, %get3A_391 : vector<16xf32>
      %mul3A_397 = arith.mulf %mul3A_396, %get3A_160 : vector<16xf32>
      %broadcast_in_dim3A_398 = vector.shape_cast %xor3A_210 : vector<16xi32> to vector<16x1xi32>
      %gather3A_399 = vector.shape_cast %broadcast_in_dim3A_398 : vector<16x1xi32> to vector<16xi32>
      %gather3A_400 = tpu.dynamic_gather %mul3A_397[%gather3A_399] in [0] : vector<16xf32>, vector<16xi32> -> vector<16xf32>
      %add3A_401 = arith.addf %mul3A_397, %gather3A_400 : vector<16xf32>
      %broadcast_in_dim3A_402 = vector.shape_cast %xor3A_213 : vector<16xi32> to vector<16x1xi32>
      %gather3A_403 = vector.shape_cast %broadcast_in_dim3A_402 : vector<16x1xi32> to vector<16xi32>
      %gather3A_404 = tpu.dynamic_gather %add3A_401[%gather3A_403] in [0] : vector<16xf32>, vector<16xi32> -> vector<16xf32>
      %add3A_405 = arith.addf %add3A_401, %gather3A_404 : vector<16xf32>
      %broadcast_in_dim3A_406 = vector.shape_cast %xor3A_216 : vector<16xi32> to vector<16x1xi32>
      %gather3A_407 = vector.shape_cast %broadcast_in_dim3A_406 : vector<16x1xi32> to vector<16xi32>
      %gather3A_408 = tpu.dynamic_gather %add3A_405[%gather3A_407] in [0] : vector<16xf32>, vector<16xi32> -> vector<16xf32>
      %add3A_409 = arith.addf %add3A_405, %gather3A_408 : vector<16xf32>
      %broadcast_in_dim3A_410 = vector.shape_cast %xor3A_219 : vector<16xi32> to vector<16x1xi32>
      %gather3A_411 = vector.shape_cast %broadcast_in_dim3A_410 : vector<16x1xi32> to vector<16xi32>
      %gather3A_412 = tpu.dynamic_gather %add3A_409[%gather3A_411] in [0] : vector<16xf32>, vector<16xi32> -> vector<16xf32>
      %add3A_413 = arith.addf %add3A_409, %gather3A_412 : vector<16xf32>
      %select_n3A_414 = arith.select %eq3A_175, %add3A_413, %select_n3A_379 : vector<16xi1>, vector<16xf32>
      %add3A_415 = arith.constant 5 : i32
      %add3A_416 = arith.addi %mul3A_241, %add3A_415 : i32
      %get3A_417 = arith.index_cast %add3A_416 : i32 to index
      %get3A_418 = arith.constant 0 : index
      %get3A_419 = tpu.vector_load %arg12[%get3A_417, %get3A_418] {strides = array<i32>} : memref<512x16xf32, #tpu.memory_space<vmem>>, vector<1x16xf32>,
      %get3A_420 = vector.shape_cast %get3A_419 : vector<1x16xf32> to vector<16xf32>
      %add3A_421 = arith.constant 5 : i32
      %add3A_422 = arith.addi %mul3A_241, %add3A_421 : i32
      %get3A_423 = arith.index_cast %add3A_422 : i32 to index
      %get3A_424 = arith.constant 0 : index
      %get3A_425 = tpu.vector_load %arg13[%get3A_423, %get3A_424] {strides = array<i32>} : memref<512x16xf32, #tpu.memory_space<vmem>>, vector<1x16xf32>,
      %get3A_426 = vector.shape_cast %get3A_425 : vector<1x16xf32> to vector<16xf32>
      %mul3A_427 = arith.mulf %get3A_420, %get3A_420 : vector<16xf32>
      %add3A_428 = arith.addf %add3A_393, %mul3A_427 : vector<16xf32>
      %mul3A_429 = arith.mulf %get3A_426, %get3A_426 : vector<16xf32>
      %add3A_430 = arith.addf %add3A_395, %mul3A_429 : vector<16xf32>
      %mul3A_431 = arith.mulf %get3A_420, %get3A_426 : vector<16xf32>
      %mul3A_432 = arith.mulf %mul3A_431, %get3A_160 : vector<16xf32>
      %broadcast_in_dim3A_433 = vector.shape_cast %xor3A_210 : vector<16xi32> to vector<16x1xi32>
      %gather3A_434 = vector.shape_cast %broadcast_in_dim3A_433 : vector<16x1xi32> to vector<16xi32>
      %gather3A_435 = tpu.dynamic_gather %mul3A_432[%gather3A_434] in [0] : vector<16xf32>, vector<16xi32> -> vector<16xf32>
      %add3A_436 = arith.addf %mul3A_432, %gather3A_435 : vector<16xf32>
      %broadcast_in_dim3A_437 = vector.shape_cast %xor3A_213 : vector<16xi32> to vector<16x1xi32>
      %gather3A_438 = vector.shape_cast %broadcast_in_dim3A_437 : vector<16x1xi32> to vector<16xi32>
      %gather3A_439 = tpu.dynamic_gather %add3A_436[%gather3A_438] in [0] : vector<16xf32>, vector<16xi32> -> vector<16xf32>
      %add3A_440 = arith.addf %add3A_436, %gather3A_439 : vector<16xf32>
      %broadcast_in_dim3A_441 = vector.shape_cast %xor3A_216 : vector<16xi32> to vector<16x1xi32>
      %gather3A_442 = vector.shape_cast %broadcast_in_dim3A_441 : vector<16x1xi32> to vector<16xi32>
      %gather3A_443 = tpu.dynamic_gather %add3A_440[%gather3A_442] in [0] : vector<16xf32>, vector<16xi32> -> vector<16xf32>
      %add3A_444 = arith.addf %add3A_440, %gather3A_443 : vector<16xf32>
      %broadcast_in_dim3A_445 = vector.shape_cast %xor3A_219 : vector<16xi32> to vector<16x1xi32>
      %gather3A_446 = vector.shape_cast %broadcast_in_dim3A_445 : vector<16x1xi32> to vector<16xi32>
      %gather3A_447 = tpu.dynamic_gather %add3A_444[%gather3A_446] in [0] : vector<16xf32>, vector<16xi32> -> vector<16xf32>
      %add3A_448 = arith.addf %add3A_444, %gather3A_447 : vector<16xf32>
      %select_n3A_449 = arith.select %eq3A_178, %add3A_448, %select_n3A_414 : vector<16xi1>, vector<16xf32>
      %add3A_450 = arith.constant 6 : i32
      %add3A_451 = arith.addi %mul3A_241, %add3A_450 : i32
      %get3A_452 = arith.index_cast %add3A_451 : i32 to index
      %get3A_453 = arith.constant 0 : index
      %get3A_454 = tpu.vector_load %arg12[%get3A_452, %get3A_453] {strides = array<i32>} : memref<512x16xf32, #tpu.memory_space<vmem>>, vector<1x16xf32>,
      %get3A_455 = vector.shape_cast %get3A_454 : vector<1x16xf32> to vector<16xf32>
      %add3A_456 = arith.constant 6 : i32
      %add3A_457 = arith.addi %mul3A_241, %add3A_456 : i32
      %get3A_458 = arith.index_cast %add3A_457 : i32 to index
      %get3A_459 = arith.constant 0 : index
      %get3A_460 = tpu.vector_load %arg13[%get3A_458, %get3A_459] {strides = array<i32>} : memref<512x16xf32, #tpu.memory_space<vmem>>, vector<1x16xf32>,
      %get3A_461 = vector.shape_cast %get3A_460 : vector<1x16xf32> to vector<16xf32>
      %mul3A_462 = arith.mulf %get3A_455, %get3A_455 : vector<16xf32>
      %add3A_463 = arith.addf %add3A_428, %mul3A_462 : vector<16xf32>
      %mul3A_464 = arith.mulf %get3A_461, %get3A_461 : vector<16xf32>
      %add3A_465 = arith.addf %add3A_430, %mul3A_464 : vector<16xf32>
      %mul3A_466 = arith.mulf %get3A_455, %get3A_461 : vector<16xf32>
      %mul3A_467 = arith.mulf %mul3A_466, %get3A_160 : vector<16xf32>
      %broadcast_in_dim3A_468 = vector.shape_cast %xor3A_210 : vector<16xi32> to vector<16x1xi32>
      %gather3A_469 = vector.shape_cast %broadcast_in_dim3A_468 : vector<16x1xi32> to vector<16xi32>
      %gather3A_470 = tpu.dynamic_gather %mul3A_467[%gather3A_469] in [0] : vector<16xf32>, vector<16xi32> -> vector<16xf32>
      %add3A_471 = arith.addf %mul3A_467, %gather3A_470 : vector<16xf32>
      %broadcast_in_dim3A_472 = vector.shape_cast %xor3A_213 : vector<16xi32> to vector<16x1xi32>
      %gather3A_473 = vector.shape_cast %broadcast_in_dim3A_472 : vector<16x1xi32> to vector<16xi32>
      %gather3A_474 = tpu.dynamic_gather %add3A_471[%gather3A_473] in [0] : vector<16xf32>, vector<16xi32> -> vector<16xf32>
      %add3A_475 = arith.addf %add3A_471, %gather3A_474 : vector<16xf32>
      %broadcast_in_dim3A_476 = vector.shape_cast %xor3A_216 : vector<16xi32> to vector<16x1xi32>
      %gather3A_477 = vector.shape_cast %broadcast_in_dim3A_476 : vector<16x1xi32> to vector<16xi32>
      %gather3A_478 = tpu.dynamic_gather %add3A_475[%gather3A_477] in [0] : vector<16xf32>, vector<16xi32> -> vector<16xf32>
      %add3A_479 = arith.addf %add3A_475, %gather3A_478 : vector<16xf32>
      %broadcast_in_dim3A_480 = vector.shape_cast %xor3A_219 : vector<16xi32> to vector<16x1xi32>
      %gather3A_481 = vector.shape_cast %broadcast_in_dim3A_480 : vector<16x1xi32> to vector<16xi32>
      %gather3A_482 = tpu.dynamic_gather %add3A_479[%gather3A_481] in [0] : vector<16xf32>, vector<16xi32> -> vector<16xf32>
      %add3A_483 = arith.addf %add3A_479, %gather3A_482 : vector<16xf32>
      %select_n3A_484 = arith.select %eq3A_181, %add3A_483, %select_n3A_449 : vector<16xi1>, vector<16xf32>
      %add3A_485 = arith.constant 7 : i32
      %add3A_486 = arith.addi %mul3A_241, %add3A_485 : i32
      %get3A_487 = arith.index_cast %add3A_486 : i32 to index
      %get3A_488 = arith.constant 0 : index
      %get3A_489 = tpu.vector_load %arg12[%get3A_487, %get3A_488] {strides = array<i32>} : memref<512x16xf32, #tpu.memory_space<vmem>>, vector<1x16xf32>,
      %get3A_490 = vector.shape_cast %get3A_489 : vector<1x16xf32> to vector<16xf32>
      %add3A_491 = arith.constant 7 : i32
      %add3A_492 = arith.addi %mul3A_241, %add3A_491 : i32
      %get3A_493 = arith.index_cast %add3A_492 : i32 to index
      %get3A_494 = arith.constant 0 : index
      %get3A_495 = tpu.vector_load %arg13[%get3A_493, %get3A_494] {strides = array<i32>} : memref<512x16xf32, #tpu.memory_space<vmem>>, vector<1x16xf32>,
      %get3A_496 = vector.shape_cast %get3A_495 : vector<1x16xf32> to vector<16xf32>
      %mul3A_497 = arith.mulf %get3A_490, %get3A_490 : vector<16xf32>
      %add3A_498 = arith.addf %add3A_463, %mul3A_497 : vector<16xf32>
      %mul3A_499 = arith.mulf %get3A_496, %get3A_496 : vector<16xf32>
      %add3A_500 = arith.addf %add3A_465, %mul3A_499 : vector<16xf32>
      %mul3A_501 = arith.mulf %get3A_490, %get3A_496 : vector<16xf32>
      %mul3A_502 = arith.mulf %mul3A_501, %get3A_160 : vector<16xf32>
      %broadcast_in_dim3A_503 = vector.shape_cast %xor3A_210 : vector<16xi32> to vector<16x1xi32>
      %gather3A_504 = vector.shape_cast %broadcast_in_dim3A_503 : vector<16x1xi32> to vector<16xi32>
      %gather3A_505 = tpu.dynamic_gather %mul3A_502[%gather3A_504] in [0] : vector<16xf32>, vector<16xi32> -> vector<16xf32>
      %add3A_506 = arith.addf %mul3A_502, %gather3A_505 : vector<16xf32>
      %broadcast_in_dim3A_507 = vector.shape_cast %xor3A_213 : vector<16xi32> to vector<16x1xi32>
      %gather3A_508 = vector.shape_cast %broadcast_in_dim3A_507 : vector<16x1xi32> to vector<16xi32>
      %gather3A_509 = tpu.dynamic_gather %add3A_506[%gather3A_508] in [0] : vector<16xf32>, vector<16xi32> -> vector<16xf32>
      %add3A_510 = arith.addf %add3A_506, %gather3A_509 : vector<16xf32>
      %broadcast_in_dim3A_511 = vector.shape_cast %xor3A_216 : vector<16xi32> to vector<16x1xi32>
      %gather3A_512 = vector.shape_cast %broadcast_in_dim3A_511 : vector<16x1xi32> to vector<16xi32>
      %gather3A_513 = tpu.dynamic_gather %add3A_510[%gather3A_512] in [0] : vector<16xf32>, vector<16xi32> -> vector<16xf32>
      %add3A_514 = arith.addf %add3A_510, %gather3A_513 : vector<16xf32>
      %broadcast_in_dim3A_515 = vector.shape_cast %xor3A_219 : vector<16xi32> to vector<16x1xi32>
      %gather3A_516 = vector.shape_cast %broadcast_in_dim3A_515 : vector<16x1xi32> to vector<16xi32>
      %gather3A_517 = tpu.dynamic_gather %add3A_514[%gather3A_516] in [0] : vector<16xf32>, vector<16xi32> -> vector<16xf32>
      %add3A_518 = arith.addf %add3A_514, %gather3A_517 : vector<16xf32>
      %select_n3A_519 = arith.select %eq3A_184, %add3A_518, %select_n3A_484 : vector<16xi1>, vector<16xf32>
      %add3A_520 = arith.constant 8 : i32
      %add3A_521 = arith.addi %mul3A_241, %add3A_520 : i32
      %get3A_522 = arith.index_cast %add3A_521 : i32 to index
      %get3A_523 = arith.constant 0 : index
      %get3A_524 = tpu.vector_load %arg12[%get3A_522, %get3A_523] {strides = array<i32>} : memref<512x16xf32, #tpu.memory_space<vmem>>, vector<1x16xf32>,
      %get3A_525 = vector.shape_cast %get3A_524 : vector<1x16xf32> to vector<16xf32>
      %add3A_526 = arith.constant 8 : i32
      %add3A_527 = arith.addi %mul3A_241, %add3A_526 : i32
      %get3A_528 = arith.index_cast %add3A_527 : i32 to index
      %get3A_529 = arith.constant 0 : index
      %get3A_530 = tpu.vector_load %arg13[%get3A_528, %get3A_529] {strides = array<i32>} : memref<512x16xf32, #tpu.memory_space<vmem>>, vector<1x16xf32>,
      %get3A_531 = vector.shape_cast %get3A_530 : vector<1x16xf32> to vector<16xf32>
      %mul3A_532 = arith.mulf %get3A_525, %get3A_525 : vector<16xf32>
      %add3A_533 = arith.addf %add3A_498, %mul3A_532 : vector<16xf32>
      %mul3A_534 = arith.mulf %get3A_531, %get3A_531 : vector<16xf32>
      %add3A_535 = arith.addf %add3A_500, %mul3A_534 : vector<16xf32>
      %mul3A_536 = arith.mulf %get3A_525, %get3A_531 : vector<16xf32>
      %mul3A_537 = arith.mulf %mul3A_536, %get3A_160 : vector<16xf32>
      %broadcast_in_dim3A_538 = vector.shape_cast %xor3A_210 : vector<16xi32> to vector<16x1xi32>
      %gather3A_539 = vector.shape_cast %broadcast_in_dim3A_538 : vector<16x1xi32> to vector<16xi32>
      %gather3A_540 = tpu.dynamic_gather %mul3A_537[%gather3A_539] in [0] : vector<16xf32>, vector<16xi32> -> vector<16xf32>
      %add3A_541 = arith.addf %mul3A_537, %gather3A_540 : vector<16xf32>
      %broadcast_in_dim3A_542 = vector.shape_cast %xor3A_213 : vector<16xi32> to vector<16x1xi32>
      %gather3A_543 = vector.shape_cast %broadcast_in_dim3A_542 : vector<16x1xi32> to vector<16xi32>
      %gather3A_544 = tpu.dynamic_gather %add3A_541[%gather3A_543] in [0] : vector<16xf32>, vector<16xi32> -> vector<16xf32>
      %add3A_545 = arith.addf %add3A_541, %gather3A_544 : vector<16xf32>
      %broadcast_in_dim3A_546 = vector.shape_cast %xor3A_216 : vector<16xi32> to vector<16x1xi32>
      %gather3A_547 = vector.shape_cast %broadcast_in_dim3A_546 : vector<16x1xi32> to vector<16xi32>
      %gather3A_548 = tpu.dynamic_gather %add3A_545[%gather3A_547] in [0] : vector<16xf32>, vector<16xi32> -> vector<16xf32>
      %add3A_549 = arith.addf %add3A_545, %gather3A_548 : vector<16xf32>
      %broadcast_in_dim3A_550 = vector.shape_cast %xor3A_219 : vector<16xi32> to vector<16x1xi32>
      %gather3A_551 = vector.shape_cast %broadcast_in_dim3A_550 : vector<16x1xi32> to vector<16xi32>
      %gather3A_552 = tpu.dynamic_gather %add3A_549[%gather3A_551] in [0] : vector<16xf32>, vector<16xi32> -> vector<16xf32>
      %add3A_553 = arith.addf %add3A_549, %gather3A_552 : vector<16xf32>
      %select_n3A_554 = arith.select %eq3A_187, %add3A_553, %select_n3A_519 : vector<16xi1>, vector<16xf32>
      %add3A_555 = arith.constant 9 : i32
      %add3A_556 = arith.addi %mul3A_241, %add3A_555 : i32
      %get3A_557 = arith.index_cast %add3A_556 : i32 to index
      %get3A_558 = arith.constant 0 : index
      %get3A_559 = tpu.vector_load %arg12[%get3A_557, %get3A_558] {strides = array<i32>} : memref<512x16xf32, #tpu.memory_space<vmem>>, vector<1x16xf32>,
      %get3A_560 = vector.shape_cast %get3A_559 : vector<1x16xf32> to vector<16xf32>
      %add3A_561 = arith.constant 9 : i32
      %add3A_562 = arith.addi %mul3A_241, %add3A_561 : i32
      %get3A_563 = arith.index_cast %add3A_562 : i32 to index
      %get3A_564 = arith.constant 0 : index
      %get3A_565 = tpu.vector_load %arg13[%get3A_563, %get3A_564] {strides = array<i32>} : memref<512x16xf32, #tpu.memory_space<vmem>>, vector<1x16xf32>,
      %get3A_566 = vector.shape_cast %get3A_565 : vector<1x16xf32> to vector<16xf32>
      %mul3A_567 = arith.mulf %get3A_560, %get3A_560 : vector<16xf32>
      %add3A_568 = arith.addf %add3A_533, %mul3A_567 : vector<16xf32>
      %mul3A_569 = arith.mulf %get3A_566, %get3A_566 : vector<16xf32>
      %add3A_570 = arith.addf %add3A_535, %mul3A_569 : vector<16xf32>
      %mul3A_571 = arith.mulf %get3A_560, %get3A_566 : vector<16xf32>
      %mul3A_572 = arith.mulf %mul3A_571, %get3A_160 : vector<16xf32>
      %broadcast_in_dim3A_573 = vector.shape_cast %xor3A_210 : vector<16xi32> to vector<16x1xi32>
      %gather3A_574 = vector.shape_cast %broadcast_in_dim3A_573 : vector<16x1xi32> to vector<16xi32>
      %gather3A_575 = tpu.dynamic_gather %mul3A_572[%gather3A_574] in [0] : vector<16xf32>, vector<16xi32> -> vector<16xf32>
      %add3A_576 = arith.addf %mul3A_572, %gather3A_575 : vector<16xf32>
      %broadcast_in_dim3A_577 = vector.shape_cast %xor3A_213 : vector<16xi32> to vector<16x1xi32>
      %gather3A_578 = vector.shape_cast %broadcast_in_dim3A_577 : vector<16x1xi32> to vector<16xi32>
      %gather3A_579 = tpu.dynamic_gather %add3A_576[%gather3A_578] in [0] : vector<16xf32>, vector<16xi32> -> vector<16xf32>
      %add3A_580 = arith.addf %add3A_576, %gather3A_579 : vector<16xf32>
      %broadcast_in_dim3A_581 = vector.shape_cast %xor3A_216 : vector<16xi32> to vector<16x1xi32>
      %gather3A_582 = vector.shape_cast %broadcast_in_dim3A_581 : vector<16x1xi32> to vector<16xi32>
      %gather3A_583 = tpu.dynamic_gather %add3A_580[%gather3A_582] in [0] : vector<16xf32>, vector<16xi32> -> vector<16xf32>
      %add3A_584 = arith.addf %add3A_580, %gather3A_583 : vector<16xf32>
      %broadcast_in_dim3A_585 = vector.shape_cast %xor3A_219 : vector<16xi32> to vector<16x1xi32>
      %gather3A_586 = vector.shape_cast %broadcast_in_dim3A_585 : vector<16x1xi32> to vector<16xi32>
      %gather3A_587 = tpu.dynamic_gather %add3A_584[%gather3A_586] in [0] : vector<16xf32>, vector<16xi32> -> vector<16xf32>
      %add3A_588 = arith.addf %add3A_584, %gather3A_587 : vector<16xf32>
      %select_n3A_589 = arith.select %eq3A_190, %add3A_588, %select_n3A_554 : vector<16xi1>, vector<16xf32>
      %add3A_590 = arith.constant 10 : i32
      %add3A_591 = arith.addi %mul3A_241, %add3A_590 : i32
      %get3A_592 = arith.index_cast %add3A_591 : i32 to index
      %get3A_593 = arith.constant 0 : index
      %get3A_594 = tpu.vector_load %arg12[%get3A_592, %get3A_593] {strides = array<i32>} : memref<512x16xf32, #tpu.memory_space<vmem>>, vector<1x16xf32>,
      %get3A_595 = vector.shape_cast %get3A_594 : vector<1x16xf32> to vector<16xf32>
      %add3A_596 = arith.constant 10 : i32
      %add3A_597 = arith.addi %mul3A_241, %add3A_596 : i32
      %get3A_598 = arith.index_cast %add3A_597 : i32 to index
      %get3A_599 = arith.constant 0 : index
      %get3A_600 = tpu.vector_load %arg13[%get3A_598, %get3A_599] {strides = array<i32>} : memref<512x16xf32, #tpu.memory_space<vmem>>, vector<1x16xf32>,
      %get3A_601 = vector.shape_cast %get3A_600 : vector<1x16xf32> to vector<16xf32>
      %mul3A_602 = arith.mulf %get3A_595, %get3A_595 : vector<16xf32>
      %add3A_603 = arith.addf %add3A_568, %mul3A_602 : vector<16xf32>
      %mul3A_604 = arith.mulf %get3A_601, %get3A_601 : vector<16xf32>
      %add3A_605 = arith.addf %add3A_570, %mul3A_604 : vector<16xf32>
      %mul3A_606 = arith.mulf %get3A_595, %get3A_601 : vector<16xf32>
      %mul3A_607 = arith.mulf %mul3A_606, %get3A_160 : vector<16xf32>
      %broadcast_in_dim3A_608 = vector.shape_cast %xor3A_210 : vector<16xi32> to vector<16x1xi32>
      %gather3A_609 = vector.shape_cast %broadcast_in_dim3A_608 : vector<16x1xi32> to vector<16xi32>
      %gather3A_610 = tpu.dynamic_gather %mul3A_607[%gather3A_609] in [0] : vector<16xf32>, vector<16xi32> -> vector<16xf32>
      %add3A_611 = arith.addf %mul3A_607, %gather3A_610 : vector<16xf32>
      %broadcast_in_dim3A_612 = vector.shape_cast %xor3A_213 : vector<16xi32> to vector<16x1xi32>
      %gather3A_613 = vector.shape_cast %broadcast_in_dim3A_612 : vector<16x1xi32> to vector<16xi32>
      %gather3A_614 = tpu.dynamic_gather %add3A_611[%gather3A_613] in [0] : vector<16xf32>, vector<16xi32> -> vector<16xf32>
      %add3A_615 = arith.addf %add3A_611, %gather3A_614 : vector<16xf32>
      %broadcast_in_dim3A_616 = vector.shape_cast %xor3A_216 : vector<16xi32> to vector<16x1xi32>
      %gather3A_617 = vector.shape_cast %broadcast_in_dim3A_616 : vector<16x1xi32> to vector<16xi32>
      %gather3A_618 = tpu.dynamic_gather %add3A_615[%gather3A_617] in [0] : vector<16xf32>, vector<16xi32> -> vector<16xf32>
      %add3A_619 = arith.addf %add3A_615, %gather3A_618 : vector<16xf32>
      %broadcast_in_dim3A_620 = vector.shape_cast %xor3A_219 : vector<16xi32> to vector<16x1xi32>
      %gather3A_621 = vector.shape_cast %broadcast_in_dim3A_620 : vector<16x1xi32> to vector<16xi32>
      %gather3A_622 = tpu.dynamic_gather %add3A_619[%gather3A_621] in [0] : vector<16xf32>, vector<16xi32> -> vector<16xf32>
      %add3A_623 = arith.addf %add3A_619, %gather3A_622 : vector<16xf32>
      %select_n3A_624 = arith.select %eq3A_193, %add3A_623, %select_n3A_589 : vector<16xi1>, vector<16xf32>
      %add3A_625 = arith.constant 11 : i32
      %add3A_626 = arith.addi %mul3A_241, %add3A_625 : i32
      %get3A_627 = arith.index_cast %add3A_626 : i32 to index
      %get3A_628 = arith.constant 0 : index
      %get3A_629 = tpu.vector_load %arg12[%get3A_627, %get3A_628] {strides = array<i32>} : memref<512x16xf32, #tpu.memory_space<vmem>>, vector<1x16xf32>,
      %get3A_630 = vector.shape_cast %get3A_629 : vector<1x16xf32> to vector<16xf32>
      %add3A_631 = arith.constant 11 : i32
      %add3A_632 = arith.addi %mul3A_241, %add3A_631 : i32
      %get3A_633 = arith.index_cast %add3A_632 : i32 to index
      %get3A_634 = arith.constant 0 : index
      %get3A_635 = tpu.vector_load %arg13[%get3A_633, %get3A_634] {strides = array<i32>} : memref<512x16xf32, #tpu.memory_space<vmem>>, vector<1x16xf32>,
      %get3A_636 = vector.shape_cast %get3A_635 : vector<1x16xf32> to vector<16xf32>
      %mul3A_637 = arith.mulf %get3A_630, %get3A_630 : vector<16xf32>
      %add3A_638 = arith.addf %add3A_603, %mul3A_637 : vector<16xf32>
      %mul3A_639 = arith.mulf %get3A_636, %get3A_636 : vector<16xf32>
      %add3A_640 = arith.addf %add3A_605, %mul3A_639 : vector<16xf32>
      %mul3A_641 = arith.mulf %get3A_630, %get3A_636 : vector<16xf32>
      %mul3A_642 = arith.mulf %mul3A_641, %get3A_160 : vector<16xf32>
      %broadcast_in_dim3A_643 = vector.shape_cast %xor3A_210 : vector<16xi32> to vector<16x1xi32>
      %gather3A_644 = vector.shape_cast %broadcast_in_dim3A_643 : vector<16x1xi32> to vector<16xi32>
      %gather3A_645 = tpu.dynamic_gather %mul3A_642[%gather3A_644] in [0] : vector<16xf32>, vector<16xi32> -> vector<16xf32>
      %add3A_646 = arith.addf %mul3A_642, %gather3A_645 : vector<16xf32>
      %broadcast_in_dim3A_647 = vector.shape_cast %xor3A_213 : vector<16xi32> to vector<16x1xi32>
      %gather3A_648 = vector.shape_cast %broadcast_in_dim3A_647 : vector<16x1xi32> to vector<16xi32>
      %gather3A_649 = tpu.dynamic_gather %add3A_646[%gather3A_648] in [0] : vector<16xf32>, vector<16xi32> -> vector<16xf32>
      %add3A_650 = arith.addf %add3A_646, %gather3A_649 : vector<16xf32>
      %broadcast_in_dim3A_651 = vector.shape_cast %xor3A_216 : vector<16xi32> to vector<16x1xi32>
      %gather3A_652 = vector.shape_cast %broadcast_in_dim3A_651 : vector<16x1xi32> to vector<16xi32>
      %gather3A_653 = tpu.dynamic_gather %add3A_650[%gather3A_652] in [0] : vector<16xf32>, vector<16xi32> -> vector<16xf32>
      %add3A_654 = arith.addf %add3A_650, %gather3A_653 : vector<16xf32>
      %broadcast_in_dim3A_655 = vector.shape_cast %xor3A_219 : vector<16xi32> to vector<16x1xi32>
      %gather3A_656 = vector.shape_cast %broadcast_in_dim3A_655 : vector<16x1xi32> to vector<16xi32>
      %gather3A_657 = tpu.dynamic_gather %add3A_654[%gather3A_656] in [0] : vector<16xf32>, vector<16xi32> -> vector<16xf32>
      %add3A_658 = arith.addf %add3A_654, %gather3A_657 : vector<16xf32>
      %select_n3A_659 = arith.select %eq3A_196, %add3A_658, %select_n3A_624 : vector<16xi1>, vector<16xf32>
      %add3A_660 = arith.constant 12 : i32
      %add3A_661 = arith.addi %mul3A_241, %add3A_660 : i32
      %get3A_662 = arith.index_cast %add3A_661 : i32 to index
      %get3A_663 = arith.constant 0 : index
      %get3A_664 = tpu.vector_load %arg12[%get3A_662, %get3A_663] {strides = array<i32>} : memref<512x16xf32, #tpu.memory_space<vmem>>, vector<1x16xf32>,
      %get3A_665 = vector.shape_cast %get3A_664 : vector<1x16xf32> to vector<16xf32>
      %add3A_666 = arith.constant 12 : i32
      %add3A_667 = arith.addi %mul3A_241, %add3A_666 : i32
      %get3A_668 = arith.index_cast %add3A_667 : i32 to index
      %get3A_669 = arith.constant 0 : index
      %get3A_670 = tpu.vector_load %arg13[%get3A_668, %get3A_669] {strides = array<i32>} : memref<512x16xf32, #tpu.memory_space<vmem>>, vector<1x16xf32>,
      %get3A_671 = vector.shape_cast %get3A_670 : vector<1x16xf32> to vector<16xf32>
      %mul3A_672 = arith.mulf %get3A_665, %get3A_665 : vector<16xf32>
      %add3A_673 = arith.addf %add3A_638, %mul3A_672 : vector<16xf32>
      %mul3A_674 = arith.mulf %get3A_671, %get3A_671 : vector<16xf32>
      %add3A_675 = arith.addf %add3A_640, %mul3A_674 : vector<16xf32>
      %mul3A_676 = arith.mulf %get3A_665, %get3A_671 : vector<16xf32>
      %mul3A_677 = arith.mulf %mul3A_676, %get3A_160 : vector<16xf32>
      %broadcast_in_dim3A_678 = vector.shape_cast %xor3A_210 : vector<16xi32> to vector<16x1xi32>
      %gather3A_679 = vector.shape_cast %broadcast_in_dim3A_678 : vector<16x1xi32> to vector<16xi32>
      %gather3A_680 = tpu.dynamic_gather %mul3A_677[%gather3A_679] in [0] : vector<16xf32>, vector<16xi32> -> vector<16xf32>
      %add3A_681 = arith.addf %mul3A_677, %gather3A_680 : vector<16xf32>
      %broadcast_in_dim3A_682 = vector.shape_cast %xor3A_213 : vector<16xi32> to vector<16x1xi32>
      %gather3A_683 = vector.shape_cast %broadcast_in_dim3A_682 : vector<16x1xi32> to vector<16xi32>
      %gather3A_684 = tpu.dynamic_gather %add3A_681[%gather3A_683] in [0] : vector<16xf32>, vector<16xi32> -> vector<16xf32>
      %add3A_685 = arith.addf %add3A_681, %gather3A_684 : vector<16xf32>
      %broadcast_in_dim3A_686 = vector.shape_cast %xor3A_216 : vector<16xi32> to vector<16x1xi32>
      %gather3A_687 = vector.shape_cast %broadcast_in_dim3A_686 : vector<16x1xi32> to vector<16xi32>
      %gather3A_688 = tpu.dynamic_gather %add3A_685[%gather3A_687] in [0] : vector<16xf32>, vector<16xi32> -> vector<16xf32>
      %add3A_689 = arith.addf %add3A_685, %gather3A_688 : vector<16xf32>
      %broadcast_in_dim3A_690 = vector.shape_cast %xor3A_219 : vector<16xi32> to vector<16x1xi32>
      %gather3A_691 = vector.shape_cast %broadcast_in_dim3A_690 : vector<16x1xi32> to vector<16xi32>
      %gather3A_692 = tpu.dynamic_gather %add3A_689[%gather3A_691] in [0] : vector<16xf32>, vector<16xi32> -> vector<16xf32>
      %add3A_693 = arith.addf %add3A_689, %gather3A_692 : vector<16xf32>
      %select_n3A_694 = arith.select %eq3A_199, %add3A_693, %select_n3A_659 : vector<16xi1>, vector<16xf32>
      %add3A_695 = arith.constant 13 : i32
      %add3A_696 = arith.addi %mul3A_241, %add3A_695 : i32
      %get3A_697 = arith.index_cast %add3A_696 : i32 to index
      %get3A_698 = arith.constant 0 : index
      %get3A_699 = tpu.vector_load %arg12[%get3A_697, %get3A_698] {strides = array<i32>} : memref<512x16xf32, #tpu.memory_space<vmem>>, vector<1x16xf32>,
      %get3A_700 = vector.shape_cast %get3A_699 : vector<1x16xf32> to vector<16xf32>
      %add3A_701 = arith.constant 13 : i32
      %add3A_702 = arith.addi %mul3A_241, %add3A_701 : i32
      %get3A_703 = arith.index_cast %add3A_702 : i32 to index
      %get3A_704 = arith.constant 0 : index
      %get3A_705 = tpu.vector_load %arg13[%get3A_703, %get3A_704] {strides = array<i32>} : memref<512x16xf32, #tpu.memory_space<vmem>>, vector<1x16xf32>,
      %get3A_706 = vector.shape_cast %get3A_705 : vector<1x16xf32> to vector<16xf32>
      %mul3A_707 = arith.mulf %get3A_700, %get3A_700 : vector<16xf32>
      %add3A_708 = arith.addf %add3A_673, %mul3A_707 : vector<16xf32>
      %mul3A_709 = arith.mulf %get3A_706, %get3A_706 : vector<16xf32>
      %add3A_710 = arith.addf %add3A_675, %mul3A_709 : vector<16xf32>
      %mul3A_711 = arith.mulf %get3A_700, %get3A_706 : vector<16xf32>
      %mul3A_712 = arith.mulf %mul3A_711, %get3A_160 : vector<16xf32>
      %broadcast_in_dim3A_713 = vector.shape_cast %xor3A_210 : vector<16xi32> to vector<16x1xi32>
      %gather3A_714 = vector.shape_cast %broadcast_in_dim3A_713 : vector<16x1xi32> to vector<16xi32>
      %gather3A_715 = tpu.dynamic_gather %mul3A_712[%gather3A_714] in [0] : vector<16xf32>, vector<16xi32> -> vector<16xf32>
      %add3A_716 = arith.addf %mul3A_712, %gather3A_715 : vector<16xf32>
      %broadcast_in_dim3A_717 = vector.shape_cast %xor3A_213 : vector<16xi32> to vector<16x1xi32>
      %gather3A_718 = vector.shape_cast %broadcast_in_dim3A_717 : vector<16x1xi32> to vector<16xi32>
      %gather3A_719 = tpu.dynamic_gather %add3A_716[%gather3A_718] in [0] : vector<16xf32>, vector<16xi32> -> vector<16xf32>
      %add3A_720 = arith.addf %add3A_716, %gather3A_719 : vector<16xf32>
      %broadcast_in_dim3A_721 = vector.shape_cast %xor3A_216 : vector<16xi32> to vector<16x1xi32>
      %gather3A_722 = vector.shape_cast %broadcast_in_dim3A_721 : vector<16x1xi32> to vector<16xi32>
      %gather3A_723 = tpu.dynamic_gather %add3A_720[%gather3A_722] in [0] : vector<16xf32>, vector<16xi32> -> vector<16xf32>
      %add3A_724 = arith.addf %add3A_720, %gather3A_723 : vector<16xf32>
      %broadcast_in_dim3A_725 = vector.shape_cast %xor3A_219 : vector<16xi32> to vector<16x1xi32>
      %gather3A_726 = vector.shape_cast %broadcast_in_dim3A_725 : vector<16x1xi32> to vector<16xi32>
      %gather3A_727 = tpu.dynamic_gather %add3A_724[%gather3A_726] in [0] : vector<16xf32>, vector<16xi32> -> vector<16xf32>
      %add3A_728 = arith.addf %add3A_724, %gather3A_727 : vector<16xf32>
      %select_n3A_729 = arith.select %eq3A_202, %add3A_728, %select_n3A_694 : vector<16xi1>, vector<16xf32>
      %add3A_730 = arith.constant 14 : i32
      %add3A_731 = arith.addi %mul3A_241, %add3A_730 : i32
      %get3A_732 = arith.index_cast %add3A_731 : i32 to index
      %get3A_733 = arith.constant 0 : index
      %get3A_734 = tpu.vector_load %arg12[%get3A_732, %get3A_733] {strides = array<i32>} : memref<512x16xf32, #tpu.memory_space<vmem>>, vector<1x16xf32>,
      %get3A_735 = vector.shape_cast %get3A_734 : vector<1x16xf32> to vector<16xf32>
      %add3A_736 = arith.constant 14 : i32
      %add3A_737 = arith.addi %mul3A_241, %add3A_736 : i32
      %get3A_738 = arith.index_cast %add3A_737 : i32 to index
      %get3A_739 = arith.constant 0 : index
      %get3A_740 = tpu.vector_load %arg13[%get3A_738, %get3A_739] {strides = array<i32>} : memref<512x16xf32, #tpu.memory_space<vmem>>, vector<1x16xf32>,
      %get3A_741 = vector.shape_cast %get3A_740 : vector<1x16xf32> to vector<16xf32>
      %mul3A_742 = arith.mulf %get3A_735, %get3A_735 : vector<16xf32>
      %add3A_743 = arith.addf %add3A_708, %mul3A_742 : vector<16xf32>
      %mul3A_744 = arith.mulf %get3A_741, %get3A_741 : vector<16xf32>
      %add3A_745 = arith.addf %add3A_710, %mul3A_744 : vector<16xf32>
      %mul3A_746 = arith.mulf %get3A_735, %get3A_741 : vector<16xf32>
      %mul3A_747 = arith.mulf %mul3A_746, %get3A_160 : vector<16xf32>
      %broadcast_in_dim3A_748 = vector.shape_cast %xor3A_210 : vector<16xi32> to vector<16x1xi32>
      %gather3A_749 = vector.shape_cast %broadcast_in_dim3A_748 : vector<16x1xi32> to vector<16xi32>
      %gather3A_750 = tpu.dynamic_gather %mul3A_747[%gather3A_749] in [0] : vector<16xf32>, vector<16xi32> -> vector<16xf32>
      %add3A_751 = arith.addf %mul3A_747, %gather3A_750 : vector<16xf32>
      %broadcast_in_dim3A_752 = vector.shape_cast %xor3A_213 : vector<16xi32> to vector<16x1xi32>
      %gather3A_753 = vector.shape_cast %broadcast_in_dim3A_752 : vector<16x1xi32> to vector<16xi32>
      %gather3A_754 = tpu.dynamic_gather %add3A_751[%gather3A_753] in [0] : vector<16xf32>, vector<16xi32> -> vector<16xf32>
      %add3A_755 = arith.addf %add3A_751, %gather3A_754 : vector<16xf32>
      %broadcast_in_dim3A_756 = vector.shape_cast %xor3A_216 : vector<16xi32> to vector<16x1xi32>
      %gather3A_757 = vector.shape_cast %broadcast_in_dim3A_756 : vector<16x1xi32> to vector<16xi32>
      %gather3A_758 = tpu.dynamic_gather %add3A_755[%gather3A_757] in [0] : vector<16xf32>, vector<16xi32> -> vector<16xf32>
      %add3A_759 = arith.addf %add3A_755, %gather3A_758 : vector<16xf32>
      %broadcast_in_dim3A_760 = vector.shape_cast %xor3A_219 : vector<16xi32> to vector<16x1xi32>
      %gather3A_761 = vector.shape_cast %broadcast_in_dim3A_760 : vector<16x1xi32> to vector<16xi32>
      %gather3A_762 = tpu.dynamic_gather %add3A_759[%gather3A_761] in [0] : vector<16xf32>, vector<16xi32> -> vector<16xf32>
      %add3A_763 = arith.addf %add3A_759, %gather3A_762 : vector<16xf32>
      %select_n3A_764 = arith.select %eq3A_205, %add3A_763, %select_n3A_729 : vector<16xi1>, vector<16xf32>
      %add3A_765 = arith.constant 15 : i32
      %add3A_766 = arith.addi %mul3A_241, %add3A_765 : i32
      %get3A_767 = arith.index_cast %add3A_766 : i32 to index
      %get3A_768 = arith.constant 0 : index
      %get3A_769 = tpu.vector_load %arg12[%get3A_767, %get3A_768] {strides = array<i32>} : memref<512x16xf32, #tpu.memory_space<vmem>>, vector<1x16xf32>,
      %get3A_770 = vector.shape_cast %get3A_769 : vector<1x16xf32> to vector<16xf32>
      %add3A_771 = arith.constant 15 : i32
      %add3A_772 = arith.addi %mul3A_241, %add3A_771 : i32
      %get3A_773 = arith.index_cast %add3A_772 : i32 to index
      %get3A_774 = arith.constant 0 : index
      %get3A_775 = tpu.vector_load %arg13[%get3A_773, %get3A_774] {strides = array<i32>} : memref<512x16xf32, #tpu.memory_space<vmem>>, vector<1x16xf32>,
      %get3A_776 = vector.shape_cast %get3A_775 : vector<1x16xf32> to vector<16xf32>
      %mul3A_777 = arith.mulf %get3A_770, %get3A_770 : vector<16xf32>
      %add3A_778 = arith.addf %add3A_743, %mul3A_777 : vector<16xf32>
      %mul3A_779 = arith.mulf %get3A_776, %get3A_776 : vector<16xf32>
      %add3A_780 = arith.addf %add3A_745, %mul3A_779 : vector<16xf32>
      %mul3A_781 = arith.mulf %get3A_770, %get3A_776 : vector<16xf32>
      %mul3A_782 = arith.mulf %mul3A_781, %get3A_160 : vector<16xf32>
      %broadcast_in_dim3A_783 = vector.shape_cast %xor3A_210 : vector<16xi32> to vector<16x1xi32>
      %gather3A_784 = vector.shape_cast %broadcast_in_dim3A_783 : vector<16x1xi32> to vector<16xi32>
      %gather3A_785 = tpu.dynamic_gather %mul3A_782[%gather3A_784] in [0] : vector<16xf32>, vector<16xi32> -> vector<16xf32>
      %add3A_786 = arith.addf %mul3A_782, %gather3A_785 : vector<16xf32>
      %broadcast_in_dim3A_787 = vector.shape_cast %xor3A_213 : vector<16xi32> to vector<16x1xi32>
      %gather3A_788 = vector.shape_cast %broadcast_in_dim3A_787 : vector<16x1xi32> to vector<16xi32>
      %gather3A_789 = tpu.dynamic_gather %add3A_786[%gather3A_788] in [0] : vector<16xf32>, vector<16xi32> -> vector<16xf32>
      %add3A_790 = arith.addf %add3A_786, %gather3A_789 : vector<16xf32>
      %broadcast_in_dim3A_791 = vector.shape_cast %xor3A_216 : vector<16xi32> to vector<16x1xi32>
      %gather3A_792 = vector.shape_cast %broadcast_in_dim3A_791 : vector<16x1xi32> to vector<16xi32>
      %gather3A_793 = tpu.dynamic_gather %add3A_790[%gather3A_792] in [0] : vector<16xf32>, vector<16xi32> -> vector<16xf32>
      %add3A_794 = arith.addf %add3A_790, %gather3A_793 : vector<16xf32>
      %broadcast_in_dim3A_795 = vector.shape_cast %xor3A_219 : vector<16xi32> to vector<16x1xi32>
      %gather3A_796 = vector.shape_cast %broadcast_in_dim3A_795 : vector<16x1xi32> to vector<16xi32>
      %gather3A_797 = tpu.dynamic_gather %add3A_794[%gather3A_796] in [0] : vector<16xf32>, vector<16xi32> -> vector<16xf32>
      %add3A_798 = arith.addf %add3A_794, %gather3A_797 : vector<16xf32>
      %select_n3A_799 = arith.select %eq3A_208, %add3A_798, %select_n3A_764 : vector<16xi1>, vector<16xf32>
      %swap3A_800 = arith.index_cast %mul3A_241 : i32 to index
      %swap3A_801 = tpu.vector_load %arg15[%swap3A_800] {strides = array<i32>} : memref<512xf32, #tpu.memory_space<vmem>>, vector<16xf32>,
      %swap3A_802 = vector.shape_cast %swap3A_801 : vector<16xf32> to vector<16xf32>
      %swap3A_803 = vector.shape_cast %select_n3A_799 : vector<16xf32> to vector<16xf32>
      tpu.vector_store %arg15[%swap3A_800], %swap3A_803 {strides = array<i32>} : memref<512xf32, #tpu.memory_space<vmem>>, vector<16xf32>,
      scf.yield %add3A_778, %add3A_780 : vector<16xf32>, vector<16xf32>
    }
    %scan3A_224 = arith.constant 32 : i32
    %swap3A = arith.constant 0 : i32
    %swap3A_225 = arith.index_cast %swap3A : i32 to index
    %swap3A_226 = arith.constant 0 : index
    %swap3A_227 = tpu.vector_load %arg16[%swap3A_225, %swap3A_226] {strides = array<i32>} : memref<2x16xf32, #tpu.memory_space<vmem>>, vector<1x16xf32>,
    %swap3A_228 = vector.shape_cast %swap3A_227 : vector<1x16xf32> to vector<16xf32>
    %swap3A_229 = vector.shape_cast %scan3A_223#0 : vector<16xf32> to vector<1x16xf32>
    tpu.vector_store %arg16[%swap3A_225, %swap3A_226], %swap3A_229 {strides = array<i32>} : memref<2x16xf32, #tpu.memory_space<vmem>>, vector<1x16xf32>,
    %swap3A_230 = arith.constant 1 : i32
    %swap3A_231 = arith.index_cast %swap3A_230 : i32 to index
    %swap3A_232 = arith.constant 0 : index
    %swap3A_233 = tpu.vector_load %arg16[%swap3A_231, %swap3A_232] {strides = array<i32>} : memref<2x16xf32, #tpu.memory_space<vmem>>, vector<1x16xf32>,
    %swap3A_234 = vector.shape_cast %swap3A_233 : vector<1x16xf32> to vector<16xf32>
    %swap3A_235 = vector.shape_cast %scan3A_223#1 : vector<16xf32> to vector<1x16xf32>
    tpu.vector_store %arg16[%swap3A_231, %swap3A_232], %swap3A_235 {strides = array<i32>} : memref<2x16xf32, #tpu.memory_space<vmem>>, vector<1x16xf32>,
    "tpu.region"() ({
      %run_scoped3A_237 = tpu.sem_alloc : memref<!tpu.dma_semaphore, #tpu.memory_space<semaphore_mem>>
      %dma_start3A_238 = arith.constant 0 : i32
      %dma_start3A_239 = tpu.memref_slice %arg7[%add3A, %dma_start3A_238] : memref<32x512xf32, #tpu.memory_space<hbm>> -> memref<1x512xf32, #tpu.memory_space<hbm>>
      %dma_start3A_240 = tpu.memref_squeeze %dma_start3A_239 : memref<1x512xf32, #tpu.memory_space<hbm>> -> memref<512xf32, #tpu.memory_space<hbm>>
      %dma_start3A_241 = arith.constant 0 : i32
      %dma_start3A_242 = tpu.memref_slice %arg7[%add3A, %dma_start3A_241] : memref<32x512xf32, #tpu.memory_space<hbm>> -> memref<1x512xf32, #tpu.memory_space<hbm>>
      %dma_start3A_243 = tpu.memref_squeeze %dma_start3A_242 : memref<1x512xf32, #tpu.memory_space<hbm>> -> memref<512xf32, #tpu.memory_space<hbm>>
      tpu.enqueue_dma source(%arg15 : memref<512xf32, #tpu.memory_space<vmem>>) target(%dma_start3A_243 : memref<512xf32, #tpu.memory_space<hbm>>) target_semaphore(%run_scoped3A_237 : memref<!tpu.dma_semaphore, #tpu.memory_space<semaphore_mem>>)
      %dma_wait3A_244 = arith.constant 0 : i32
      %dma_wait3A_245 = tpu.memref_slice %arg7[%add3A, %dma_wait3A_244] : memref<32x512xf32, #tpu.memory_space<hbm>> -> memref<1x512xf32, #tpu.memory_space<hbm>>
      %dma_wait3A_246 = tpu.memref_squeeze %dma_wait3A_245 : memref<1x512xf32, #tpu.memory_space<hbm>> -> memref<512xf32, #tpu.memory_space<hbm>>
      %dma_wait3A_247 = arith.constant 0 : i32
      %dma_wait3A_248 = tpu.memref_slice %arg7[%add3A, %dma_wait3A_247] : memref<32x512xf32, #tpu.memory_space<hbm>> -> memref<1x512xf32, #tpu.memory_space<hbm>>
      %dma_wait3A_249 = tpu.memref_squeeze %dma_wait3A_248 : memref<1x512xf32, #tpu.memory_space<hbm>> -> memref<512xf32, #tpu.memory_space<hbm>>
      tpu.wait_dma2 semaphore(%run_scoped3A_237 : memref<!tpu.dma_semaphore, #tpu.memory_space<semaphore_mem>>) src(%arg15 : memref<512xf32, #tpu.memory_space<vmem>>) dst(%dma_wait3A_249 : memref<512xf32, #tpu.memory_space<hbm>>)
      tpu.yield
    }) : () -> ()
    %run_scoped3A = arith.constant 0 : i32
    "tpu.region"() ({
      %run_scoped3A_237 = tpu.sem_alloc : memref<!tpu.dma_semaphore, #tpu.memory_space<semaphore_mem>>
      %dma_start3A_238 = arith.constant 0 : i32
      %dma_start3A_239 = tpu.memref_slice %arg16[%run_scoped3A, %dma_start3A_238] : memref<2x16xf32, #tpu.memory_space<vmem>> -> memref<1x16xf32, #tpu.memory_space<vmem>>
      %dma_start3A_240 = tpu.memref_squeeze %dma_start3A_239 : memref<1x16xf32, #tpu.memory_space<vmem>> -> memref<16xf32, #tpu.memory_space<vmem>>
      %dma_start3A_241 = arith.constant 0 : i32
      %dma_start3A_242 = tpu.memref_slice %arg8[%add3A, %dma_start3A_241] : memref<32x16xf32, #tpu.memory_space<hbm>> -> memref<1x16xf32, #tpu.memory_space<hbm>>
      %dma_start3A_243 = tpu.memref_squeeze %dma_start3A_242 : memref<1x16xf32, #tpu.memory_space<hbm>> -> memref<16xf32, #tpu.memory_space<hbm>>
      %dma_start3A_244 = arith.constant 0 : i32
      %dma_start3A_245 = tpu.memref_slice %arg8[%add3A, %dma_start3A_244] : memref<32x16xf32, #tpu.memory_space<hbm>> -> memref<1x16xf32, #tpu.memory_space<hbm>>
      %dma_start3A_246 = tpu.memref_squeeze %dma_start3A_245 : memref<1x16xf32, #tpu.memory_space<hbm>> -> memref<16xf32, #tpu.memory_space<hbm>>
      %dma_start3A_247 = arith.constant 0 : i32
      %dma_start3A_248 = tpu.memref_slice %arg16[%run_scoped3A, %dma_start3A_247] : memref<2x16xf32, #tpu.memory_space<vmem>> -> memref<1x16xf32, #tpu.memory_space<vmem>>
      %dma_start3A_249 = tpu.memref_squeeze %dma_start3A_248 : memref<1x16xf32, #tpu.memory_space<vmem>> -> memref<16xf32, #tpu.memory_space<vmem>>
      tpu.enqueue_dma source(%dma_start3A_249 : memref<16xf32, #tpu.memory_space<vmem>>) target(%dma_start3A_246 : memref<16xf32, #tpu.memory_space<hbm>>) target_semaphore(%run_scoped3A_237 : memref<!tpu.dma_semaphore, #tpu.memory_space<semaphore_mem>>)
      %dma_wait3A_250 = arith.constant 0 : i32
      %dma_wait3A_251 = tpu.memref_slice %arg16[%run_scoped3A, %dma_wait3A_250] : memref<2x16xf32, #tpu.memory_space<vmem>> -> memref<1x16xf32, #tpu.memory_space<vmem>>
      %dma_wait3A_252 = tpu.memref_squeeze %dma_wait3A_251 : memref<1x16xf32, #tpu.memory_space<vmem>> -> memref<16xf32, #tpu.memory_space<vmem>>
      %dma_wait3A_253 = arith.constant 0 : i32
      %dma_wait3A_254 = tpu.memref_slice %arg8[%add3A, %dma_wait3A_253] : memref<32x16xf32, #tpu.memory_space<hbm>> -> memref<1x16xf32, #tpu.memory_space<hbm>>
      %dma_wait3A_255 = tpu.memref_squeeze %dma_wait3A_254 : memref<1x16xf32, #tpu.memory_space<hbm>> -> memref<16xf32, #tpu.memory_space<hbm>>
      %dma_wait3A_256 = arith.constant 0 : i32
      %dma_wait3A_257 = tpu.memref_slice %arg8[%add3A, %dma_wait3A_256] : memref<32x16xf32, #tpu.memory_space<hbm>> -> memref<1x16xf32, #tpu.memory_space<hbm>>
      %dma_wait3A_258 = tpu.memref_squeeze %dma_wait3A_257 : memref<1x16xf32, #tpu.memory_space<hbm>> -> memref<16xf32, #tpu.memory_space<hbm>>
      %dma_wait3A_259 = arith.constant 0 : i32
      %dma_wait3A_260 = tpu.memref_slice %arg16[%run_scoped3A, %dma_wait3A_259] : memref<2x16xf32, #tpu.memory_space<vmem>> -> memref<1x16xf32, #tpu.memory_space<vmem>>
      %dma_wait3A_261 = tpu.memref_squeeze %dma_wait3A_260 : memref<1x16xf32, #tpu.memory_space<vmem>> -> memref<16xf32, #tpu.memory_space<vmem>>
      tpu.wait_dma2 semaphore(%run_scoped3A_237 : memref<!tpu.dma_semaphore, #tpu.memory_space<semaphore_mem>>) src(%dma_wait3A_261 : memref<16xf32, #tpu.memory_space<vmem>>) dst(%dma_wait3A_258 : memref<16xf32, #tpu.memory_space<hbm>>)
      tpu.yield
    }) : () -> ()
    %run_scoped3A_236 = arith.constant 1 : i32
    "tpu.region"() ({
      %run_scoped3A_237 = tpu.sem_alloc : memref<!tpu.dma_semaphore, #tpu.memory_space<semaphore_mem>>
      %dma_start3A_238 = arith.constant 0 : i32
      %dma_start3A_239 = tpu.memref_slice %arg16[%run_scoped3A_236, %dma_start3A_238] : memref<2x16xf32, #tpu.memory_space<vmem>> -> memref<1x16xf32, #tpu.memory_space<vmem>>
      %dma_start3A_240 = tpu.memref_squeeze %dma_start3A_239 : memref<1x16xf32, #tpu.memory_space<vmem>> -> memref<16xf32, #tpu.memory_space<vmem>>
      %dma_start3A_241 = arith.constant 0 : i32
      %dma_start3A_242 = tpu.memref_slice %arg9[%add3A, %dma_start3A_241] : memref<32x16xf32, #tpu.memory_space<hbm>> -> memref<1x16xf32, #tpu.memory_space<hbm>>
      %dma_start3A_243 = tpu.memref_squeeze %dma_start3A_242 : memref<1x16xf32, #tpu.memory_space<hbm>> -> memref<16xf32, #tpu.memory_space<hbm>>
      %dma_start3A_244 = arith.constant 0 : i32
      %dma_start3A_245 = tpu.memref_slice %arg9[%add3A, %dma_start3A_244] : memref<32x16xf32, #tpu.memory_space<hbm>> -> memref<1x16xf32, #tpu.memory_space<hbm>>
      %dma_start3A_246 = tpu.memref_squeeze %dma_start3A_245 : memref<1x16xf32, #tpu.memory_space<hbm>> -> memref<16xf32, #tpu.memory_space<hbm>>
      %dma_start3A_247 = arith.constant 0 : i32
      %dma_start3A_248 = tpu.memref_slice %arg16[%run_scoped3A_236, %dma_start3A_247] : memref<2x16xf32, #tpu.memory_space<vmem>> -> memref<1x16xf32, #tpu.memory_space<vmem>>
      %dma_start3A_249 = tpu.memref_squeeze %dma_start3A_248 : memref<1x16xf32, #tpu.memory_space<vmem>> -> memref<16xf32, #tpu.memory_space<vmem>>
      tpu.enqueue_dma source(%dma_start3A_249 : memref<16xf32, #tpu.memory_space<vmem>>) target(%dma_start3A_246 : memref<16xf32, #tpu.memory_space<hbm>>) target_semaphore(%run_scoped3A_237 : memref<!tpu.dma_semaphore, #tpu.memory_space<semaphore_mem>>)
      %dma_wait3A_250 = arith.constant 0 : i32
      %dma_wait3A_251 = tpu.memref_slice %arg16[%run_scoped3A_236, %dma_wait3A_250] : memref<2x16xf32, #tpu.memory_space<vmem>> -> memref<1x16xf32, #tpu.memory_space<vmem>>
      %dma_wait3A_252 = tpu.memref_squeeze %dma_wait3A_251 : memref<1x16xf32, #tpu.memory_space<vmem>> -> memref<16xf32, #tpu.memory_space<vmem>>
      %dma_wait3A_253 = arith.constant 0 : i32
      %dma_wait3A_254 = tpu.memref_slice %arg9[%add3A, %dma_wait3A_253] : memref<32x16xf32, #tpu.memory_space<hbm>> -> memref<1x16xf32, #tpu.memory_space<hbm>>
      %dma_wait3A_255 = tpu.memref_squeeze %dma_wait3A_254 : memref<1x16xf32, #tpu.memory_space<hbm>> -> memref<16xf32, #tpu.memory_space<hbm>>
      %dma_wait3A_256 = arith.constant 0 : i32
      %dma_wait3A_257 = tpu.memref_slice %arg9[%add3A, %dma_wait3A_256] : memref<32x16xf32, #tpu.memory_space<hbm>> -> memref<1x16xf32, #tpu.memory_space<hbm>>
      %dma_wait3A_258 = tpu.memref_squeeze %dma_wait3A_257 : memref<1x16xf32, #tpu.memory_space<hbm>> -> memref<16xf32, #tpu.memory_space<hbm>>
      %dma_wait3A_259 = arith.constant 0 : i32
      %dma_wait3A_260 = tpu.memref_slice %arg16[%run_scoped3A_236, %dma_wait3A_259] : memref<2x16xf32, #tpu.memory_space<vmem>> -> memref<1x16xf32, #tpu.memory_space<vmem>>
      %dma_wait3A_261 = tpu.memref_squeeze %dma_wait3A_260 : memref<1x16xf32, #tpu.memory_space<vmem>> -> memref<16xf32, #tpu.memory_space<vmem>>
      tpu.wait_dma2 semaphore(%run_scoped3A_237 : memref<!tpu.dma_semaphore, #tpu.memory_space<semaphore_mem>>) src(%dma_wait3A_261 : memref<16xf32, #tpu.memory_space<vmem>>) dst(%dma_wait3A_258 : memref<16xf32, #tpu.memory_space<hbm>>)
      tpu.yield
    }) : () -> ()
    return
  }
}

</mosaic_0001>

<sc_bundles>
// kernel: kernel.3.cloned.1.call-start
scs
__scs_entry_jumppad:
0x0: {  	(pc) =	sbr.rel $0x88, $3  }
0x1: {  	(tag) =	ssettag $0x0;
	lr =	simm.s32 $0x1  }
0x2: {  	[smem:$0x3F9C] =	sst lr;
	_ =	strace $0xD0000000  }
0x3: {  	_ = 	snop  }
0x4: {  	_ = 	snop  }
0x5: {  	_ = 	snop  }
0x6: {  	_ = 	snop  }
0x7: {  	_ = 	snop  }
__scs_overlays_trampoline_lowered:
0x8: {  	[smem:$0x3FAB] =	sst s0  }
0x9: {  	[smem:$0x3FAC] =	sst s1  }
0xa: {  	[smem:$0x3FAD] =	sst s2  }
0xb: {  	[smem:$0x3FAE] =	sst s3  }
0xc: {  	[smem:$0x3FAF] =	sst s4  }
0xd: {  	[smem:$0x3FB0] =	sst s5  }
0xe: {  	[smem:$0x3FB1] =	sst s6  }
0xf: {  	[smem:$0x3FB2] =	sst s7  }
0x10: {  	[smem:$0x3FB3] =	sst s8  }
0x11: {  	[smem:$0x3FB4] =	sst s9;
	s0 =	simm.s32 @!p0 $0x0  }
0x12: {  	s1 =	sld [smem:$0x3F9A];
	s0 =	simm.s32 @p0 $0x1  }
0x13: {  	[smem:$0x3FB5] =	sst s0;
	s0 =	simm.s32 @!p1 $0x0  }
0x14: {  	s2 =	sld [smem:$0x3F99];
	s0 =	simm.s32 @p1 $0x1  }
0x15: {  	[smem:$0x3FB6] =	sst s0;
	s0 =	simm.s32 @!p2 $0x0  }
0x16: {  	s3 =	sld [smem:$0x3FDB];
	s0 =	simm.s32 @p2 $0x1  }
0x17: {  	s4 =	simm.s32 $0x1BF5;
	[smem:$0x3FB8] =	sst s0  }
0x18: {  	s0 =	sld [smem:$0x3F9B];
	_ =	swait.ge [sflag:s4], $0x0  }
0x19: {  	s7 =	sld [smem:$0x3F9C]  }
0x1a: {  	s8 =	sadd.s32 $0xFFFFE003, lr  }
0x1b: {  	s9 =	sadd.s32 $0xFFFFFEF7, lr;
	s5 =	simm.s32 $0xFFFFFFFF;
	p2 =	slt.u32 s8, $0xFFFFF086  }
0x1c: {  	p1 =	slt.u32 s9, $0xF7A;
	s5 =	simm.s32 @!p2 $0x0  }
0x1d: {  	s5 =	simm.s32 @p1 $0x1;
	p0 =	seq.s32 s7, s2  }
0x1e: {  	s7 =	smul.u32 @!p0 $0xF7A, s2;
	p2 =	seq.s32 @!p0 s5, $0x0  }
0x1f: {  	s9 =	smul.u32 $0xF7A, s1;
	s8 =	simm.s32 @!p0 $0x1BF5;
	p2 =	por !p2, p0  }
0x20: {  	[sflag:s8] =	ssyncset.s32 @!p0 $0xFFFFF086;
	s6 =	sadd.s32 @!p0 s3, s7;
	s7 =	simm.s32 @!p0 $0x108  }
0x21: {  	s3 =	sadd.s32 s3, s9;
	s6 =	sadd.s32 @!p0 $0x88, s6;
	s7 =	simm.s32 @p2 $0x1082  }
0x22: {  	[simem:s7], [sflag:s8] =	dma.local @!p0 [hbm:s6], $0xF7A  }
0x23: {  	s9 =	sor.u32 $0xD0000000, s2;
	s6 =	simm.s32 $0x108;
	_ =	swait.ge @!p0 [sflag:s8], $0x0  }
0x24: {  	s3 =	sadd.s32 $0x88, s3;
	s6 =	simm.s32 @!p1 $0x1082;
	[sflag:s4] =	ssyncset.s32 $0xFFFFF086  }
0x25: {  	[simem:s6], [sflag:s4] =	dma.local [hbm:s3], $0xF7A  }
0x26: {  	[smem:$0x3F9C] =	sst s1;
	(tag) =	ssettag s2;
	_ =	strace s9  }
0x27: {  	s1 =	sld [smem:$0x3FAC]  }
0x28: {  	s2 =	sld [smem:$0x3FAD]  }
0x29: {  	s4 =	sld [smem:$0x3FAF]  }
0x2a: {  	p0 =	seq.s32 s5, $0x0;
	s5 =	sld [smem:$0x3FB0]  }
0x2b: {  	s6 =	sld [smem:$0x3FB1]  }
0x2c: {  	s7 =	sld [smem:$0x3FB2]  }
0x2d: {  	s3 =	simm.s32 $0x108;
	s8 =	sld [smem:$0x3FB3]  }
0x2e: {  	s3 =	simm.s32 @!p0 $0x1082;
	s9 =	sld [smem:$0x3FB4]  }
0x2f: {  	lr =	sadd.s32 s0, s3;
	s0 =	sld [smem:$0x3FAB]  }
0x30: {  	s3 =	sld [smem:$0x3FAE]  }
0x31: {  	[smem:$0x3FB7] =	sst s10  }
0x32: {  	s10 =	sld [smem:$0x3FB5];
	_ =	sdelay $0x3  }
0x33: {  	p0 =	seq.s32 s10, $0x1;
	s10 =	sld [smem:$0x3FB7];
	_ =	sdelay $0x3  }
0x34: {  	[smem:$0x3FB7] =	sst s10  }
0x35: {  	s10 =	sld [smem:$0x3FB6];
	_ =	sdelay $0x3  }
0x36: {  	p1 =	seq.s32 s10, $0x1;
	s10 =	sld [smem:$0x3FB7];
	_ =	sdelay $0x3  }
0x37: {  	[smem:$0x3FB7] =	sst s10  }
0x38: {  	s10 =	sld [smem:$0x3FB8]  }
0x39: {  	_ = 	snop;
	(pc) =	sbr.ind lr, $3  }
0x3a: {  	_ = 	snop  }
0x3b: {  	_ = 	snop  }
0x3c: {  	p2 =	seq.s32 s10, $0x1;
	s10 =	sld [smem:$0x3FB7]  }
0x3d: {  	_ =	shalt  }
0x3e: {  	_ =	shalt  }
0x3f: {  	_ =	shalt  }
0x40: {  	_ =	shalt  }
0x41: {  	_ =	shalt  }
0x42: {  	_ =	shalt  }
0x43: {  	_ =	shalt  }
0x44: {  	_ =	shalt  }
0x45: {  	_ =	shalt  }
0x46: {  	_ =	shalt  }
0x47: {  	_ =	shalt  }
0x48: {  	_ =	shalt  }
0x49: {  	_ =	shalt  }
0x4a: {  	_ =	shalt  }
0x4b: {  	_ =	shalt  }
0x4c: {  	_ =	shalt  }
0x4d: {  	_ =	shalt  }
0x4e: {  	_ =	shalt  }
0x4f: {  	_ =	shalt  }
0x50: {  	_ =	shalt  }
0x51: {  	_ =	shalt  }
0x52: {  	_ =	shalt  }
0x53: {  	_ =	shalt  }
0x54: {  	_ =	shalt  }
0x55: {  	_ =	shalt  }
0x56: {  	_ =	shalt  }
0x57: {  	_ =	shalt  }
0x58: {  	_ =	shalt  }
0x59: {  	_ =	shalt  }
0x5a: {  	_ =	shalt  }
0x5b: {  	_ =	shalt  }
0x5c: {  	_ =	shalt  }
0x5d: {  	_ =	shalt  }
0x5e: {  	_ =	shalt  }
0x5f: {  	_ =	shalt  }
0x60: {  	_ =	shalt  }
0x61: {  	_ =	shalt  }
0x62: {  	_ =	shalt  }
0x63: {  	_ =	shalt  }
0x64: {  	_ =	shalt  }
0x65: {  	_ =	shalt  }
0x66: {  	_ =	shalt  }
0x67: {  	_ =	shalt  }
0x68: {  	_ =	shalt  }
0x69: {  	_ =	shalt  }
0x6a: {  	_ =	shalt  }
0x6b: {  	_ =	shalt  }
0x6c: {  	_ =	shalt  }
0x6d: {  	_ =	shalt  }
0x6e: {  	_ =	shalt  }
0x6f: {  	_ =	shalt  }
0x70: {  	_ =	shalt  }
0x71: {  	_ =	shalt  }
0x72: {  	_ =	shalt  }
0x73: {  	_ =	shalt  }
0x74: {  	_ =	shalt  }
0x75: {  	_ =	shalt  }
0x76: {  	_ =	shalt  }
0x77: {  	_ =	shalt  }
0x78: {  	_ =	shalt  }
0x79: {  	_ =	shalt  }
0x7a: {  	_ =	shalt  }
0x7b: {  	_ =	shalt  }
0x7c: {  	_ =	shalt  }
0x7d: {  	_ =	shalt  }
0x7e: {  	_ =	shalt  }
0x7f: {  	_ =	shalt  }
0x80: {  	_ =	shalt  }
0x81: {  	_ =	shalt  }
0x82: {  	_ =	shalt  }
0x83: {  	_ =	shalt  }
0x84: {  	_ =	shalt  }
0x85: {  	_ =	shalt  }
0x86: {  	_ =	shalt  }
0x87: {  	_ =	shalt  }
.Lfunc_end0:
.L_simem_size_0:
called_computation_lowered:
.L_overlay_start_0:
0x88: {  	s2 =	sld [smem:$0x3FD9]  }
0x89: {  	s3 =	sld [smem:$0x3FFE];
	_ =	sdelay $0x1  }
0x8a: {  	s1 =	srdreg.scid  }
0x8b: {  	s0 =	sand.u32 $0x1, s1  }
0x8c: {  	s14 =	sshll.u32 s0, $0xA;
	s2 =	sadd.s32 s3, s2  }
0x8d: {  	s2 =	sadd.s32 s2, s14  }
0x8e: {  	[smem:$0x3FC3] =	sst s2  }
0x8f: {  	_ = 	snop  }
0x90: {  	s2 =	sld [smem:$0x3FD0];
	_ =	sdelay $0x1  }
0x91: {  	s15 =	sld [smem:$0x3FC9]  }
0x92: {  	s5 =	simm.s32 $0xA;
	s6 =	simm.s32 $0x10;
	s4 =	sld [smem:$0x3FC8]  }
0x93: {  	[smem:s6], [sflag:s5] =	dma.local [hbm:s2], $0x1  }
0x94: {  	_ =	swait.eq [sflag:s5], $0x1  }
0x95: {  	[sflag:s5] =	ssyncset.done $0x0  }
0x96: {  	s16 =	sld [smem:$0x10];
	[sflag:s5] =	ssyncadd.s32 $0xFFFFFFFF  }
0x97: {  	s17 =	sld [smem:$0x11];
	(tm) =	ssettm $0x1  }
0x98: {  	s18 =	sld [smem:$0x3FFB];
	_ =	sdelay $0x3  }
0x99: {  	_ =	strace s18  }
0x9a: {  	s6 =	sld [smem:$0x3FFC];
	_ =	sdelay $0x3  }
0x9b: {  	_ =	strace s6  }
0x9c: {  	s6 =	sld [smem:$0x3FFD];
	_ =	sdelay $0x3  }
0x9d: {  	_ =	strace s6  }
0x9e: {  	_ =	strace $0x8FFFFFFF  }
0x9f: {  	s19 =	sld [smem:$0x3FDB];
	_ =	sdelay $0x1  }
0xa0: {  	s7 =	simm.s32 $_scs_section_size  }
0xa1: {  	s8 =	simm.s32 $_size__tile_overlayer_lowered;
	s9 =	simm.s32 $_tile_overlayer_lowered  }
0xa2: {  	s22 =	simm.s32 $0x1BFF;
	s21 =	sshll.u32 s9, $0x1;
	s6 =	sadd.s32 s7, s19  }
0xa3: {  	s10 =	simm.s32 $0x0;
	s20 =	sshll.u32 s8, $0x1;
	s8 =	sadd.s32 s21, s6  }
0xa4: {  	[timem:s10], [sflag:s22] =	dma.local [hbm:s8], s20  }
0xa5: {  	_ =	swait.ge [sflag:s22], s20  }
0xa6: {  	s7 =	ssub.s32 $0x0, s20;
	[sflag:s22] =	ssyncset.done $0x0  }
0xa7: {  	[sflag:s22] =	ssyncadd.s32 s7;
	_ =	sdelay $0x1  }
0xa8: {  	s23 =	simm.s32 $0x1B8B  }
0xa9: {  	_ =	swait.ge [sflag:s23], $0x1  }
0xaa: {  	[sflag:s23] =	ssyncset.done $0x0  }
0xab: {  	s25 =	simm.s32 $0x1B8E;
	s24 =	sld [smem:$0x3FFE];
	[sflag:s23] =	ssyncadd.s32 $0xFFFFFFFF  }
0xac: {  	s26 =	simm.s32 $execute0_lowered;
	[smem:$0x3FD2] =	sst s25  }
0xad: {  	s8 =	sshll.u32 s26, $0x1;
	_ =	strace $0x80000046;
	[dreg:$0x1] =	wrdreg $0xFFFFFFFF  }
0xae: {  	s28 =	simm.s32 $_size_execute0_lowered;
	s6 =	sadd.s32 s6, s8;
	[dreg:$0x0] =	wrdreg $0x0  }
0xaf: {  	s8 =	sshll.u32 s28, $0x1;
	[dreg:$0x2] =	wrdreg s6  }
0xb0: {  	[dreg:$0x3] =	wrdreg s8  }
0xb1: {  	[dreg:$0x4] =	wrdreg $0xC0  }
0xb2: {  	_ =	task [dreg:s10], $0x5FFFF  }
0xb3: {  	[dreg:$0x1] =	wrdreg $0xFFFFFFFF  }
0xb4: {  	[dreg:$0x0] =	wrdreg $0x60  }
0xb5: {  	[dreg:$0x2] =	wrdreg s15  }
0xb6: {  	[dreg:$0x3] =	wrdreg s4  }
0xb7: {  	[dreg:$0x4] =	wrdreg s24  }
0xb8: {  	[dreg:$0x5] =	wrdreg s17  }
0xb9: {  	[dreg:$0x6] =	wrdreg s16  }
0xba: {  	[dreg:$0x7] =	wrdreg $0x9  }
0xbb: {  	_ =	task.clear_ibuf [dreg:s10], $0x8FFFF;
	_ =	strace $0x90000046  }
0xbc: {  	s29 =	simm.s32 $0x9;
	_ =	strace $0x80000048  }
0xbd: {  	_ =	swait.ge [sflag:s29], $0x1  }
0xbe: {  	[sflag:s29] =	ssyncadd.s32 $0xFFFFFFFF  }
0xbf: {  	_ =	strace $0x90000048  }
0xc0: {  	_ =	sfence  }
0xc1: {  	s30 =	sld [smem:$0x0];
	_ =	sdelay $0x2  }
0xc2: {  	s31 =	sshll.u32 s1, $0xD;
	s1 =	sshrl.u32 s1, $0x2  }
0xc3: {  	s3 =	sand.u32 $0x4000, s31;
	s1 =	sadd.s32 s1, s30  }
0xc4: {  	s0 =	sor.u32 s3, s0;
	s1 =	sshll.u32 s1, $0x11  }
0xc5: {  	s0 =	sor.u32 s1, s0  }
0xc6: {  	s0 =	sadd.s32 $0x8F2B, s0  }
0xc7: {  	[sflag:s0] =	ssyncadd.remote.s32 $0x1  }
0xc8: {  	_ =	sfence.sel $0xFFFF  }
0xc9: {  	[dreg:$0x0] =	wrdreg $0xFFFFFFFF;
	(pc) =	sbr.abs _section_cstart, $3  }
0xca: {  	[dreg:$0x1] =	wrdreg $0xFFFFFFFF  }
0xcb: {  	_ =	task.clear_ibuf [dreg:s10], $0x2FFFF;
	_ =	strace $0x9FFFFFFF  }
0xcc: {  	(tm) =	ssettm $0x7FFFFFFF  }
0xcd: {  	_ =	shalt  }
tec
execute0_lowered:
.L_overlay_start_1:
0x0: {  	(tag) =	ssettag $0x1  }
0x1: {  	s0 =	rddreg [dreg:$0x0]  }
0x2: {  	s1 =	rddreg [dreg:$0x1];
	v0 =	vimm.s32 $0xEFCDAB89;
	v1 =	vimm.s32 $0x67452301  }
0x3: {  	s3 =	rddreg [dreg:$0x2];
	v2 =	vimm.s32 $0xDCFE98BA;
	v3 =	vimm.s32 $0x54761032;
	v4 =	vimm.s32 $0xBA98FEDC  }
0x4: {  	s8 =	rddreg [dreg:$0x4];
	s2 =	simm.s32 $0x0;
	v5 =	vimm.s32 $0x32107654;
	v6 =	vimm.s32 $0xFEDCBA98;
	v7 =	vimm.s32 $0x76543210  }
0x5: {  	s4 =	srdreg.scid;
	s6 =	stileid.u32;
	s12 =	simm.s32 $0x2;
	vm0 =	vmmov $0x1;
	vm1 =	vmmov $0x3;
	vm2 =	vmmov $0x7  }
0x6: {  	s13 =	simm.s32 $0x200;
	s15 =	simm.s32 $0x80;
	s18 =	simm.s32 $0xC00;
	vm3 =	vmmov $0xf;
	vm4 =	vmmov $0x1f;
	vm5 =	vmmov $0x3f  }
0x7: {  	s19 =	simm.s32 $0x280;
	s20 =	simm.s32 $0x2C00;
	s21 =	simm.s32 $0x100;
	vm6 =	vmmov $0x7f;
	vm7 =	vmmov $0xff;
	vm8 =	vmmov $0x1ff  }
0x8: {  	s22 =	simm.s32 $0x1400;
	s23 =	simm.s32 $0x300;
	s24 =	simm.s32 $0x3400;
	vm9 =	vmmov $0x3ff;
	vm10 =	vmmov $0x7ff;
	vm11 =	vmmov $0xfff  }
0x9: {  	s28 =	simm.s32 $0x380;
	s29 =	simm.s32 $0x3C00;
	s30 =	simm.s32 $0x1;
	vm12 =	vmmov $0x1fff;
	v0 =	vunpack.c.l.s4.s8 v0;
	v1 =	vunpack.c.l.s4.s8 v1  }
0xa: {  	s31 =	simm.s32 $0x4410;
	v2 =	vunpack.c.l.s4.s8 v2;
	[smem:$0x7FF] =	sst s2;
	s5 =	sand.u32 $0x1, s4;
	v3 =	vunpack.c.l.s4.s8 v3;
	v4 =	vunpack.c.l.s4.s8 v4  }
0xb: {  	s6 =	sshll.u32 s6, $0x1;
	s4 =	sadd.s32 $0x112AA00, s3;
	v5 =	vunpack.c.l.s4.s8 v5;
	v6 =	vunpack.c.l.s4.s8 v6;
	v7 =	vunpack.c.l.s4.s8 v7;
	_ =	strace $0x80000047  }
0xc: {  	s7 =	ssub.s32 $0x2, s5;
	s9 =	sor.u32 s5, s6;
	s5 =	sadd.s32 $0xF42400, s3;
	v0 =	vunpack.c.0.s8.s32 v0;
	v1 =	vunpack.c.0.s8.s32 v1;
	v2 =	vunpack.c.0.s8.s32 v2  }
0xd: {  	s25 =	sshrl.u32 s7, $0x1;
	s10 =	sshll.u32 s9, $0x6;
	v3 =	vunpack.c.0.s8.s32 v3;
	s26 =	sshll.u32 s9, $0x1;
	v4 =	vunpack.c.0.s8.s32 v4;
	v5 =	vunpack.c.0.s8.s32 v5  }
0xe: {  	vm13 =	vmmov $0x3fff;
	s11 =	ssub.s32 s7, s25;
	s6 =	sadd.s32 s0, s10;
	s7 =	sadd.s32 s1, s10;
	v0 =	vcombine.low v1, v0;
	v1 =	vunpack.c.0.s8.s32 v6  }
0xf: {  	s8 =	sadd.s32 s8, s10;
	s9 =	sadd.s32 s3, s26;
	s25 =	simm.s32 $0x180;
	v2 =	vcombine.low v3, v2;
	v3 =	vcombine.low v5, v4;
	v4 =	vunpack.c.0.s8.s32 v7  }
0x10: {  	vm14 =	vmmov $0x7fff;
	s26 =	simm.s32 $0x1C00;
	s0 =	simm.s32 $0x4610;
	s3 =	simm.s32 $0x4620;
	v0 =	vand.u32 $0xF, v0;
	v5 =	vand.u32 $0xF, v1  }
0x11: {  	s1 =	simm.s32 $0x0;
	s10 =	sadd.s32 $0x200, s9;
	s11 =	smax.u32 s11, $0x1;
	v1 =	vand.u32 $0xF, v2;
	v2 =	vand.u32 $0xF, v3;
	v3 =	vcombine.low v5, v4  }
.LBB2_1:
0x12: {  	[tilespmem:s2], [sflag:$0x2] =	stream.linear.gather [hbm4b:s6+s2], $0x200, $0x38;
	[tilespmem:$0x4630] =	vst v63  }
0x13: {  	_ =	swait.ge [sflag:s12], $0x200  }
0x14: {  	[sflag:s12] =	ssyncset.done $0x0  }
0x15: {  	[sflag:s12] =	ssyncadd.s32 $0xFFFFFE00  }
0x16: {  	[tilespmem:s13], [sflag:$0x2] =	stream.linear.gather [hbm4b:s7+s2], $0x200, $0x38;
	[tilespmem:$0x4630] =	vst v63  }
0x17: {  	_ =	swait.ge [sflag:s12], $0x200  }
0x18: {  	[sflag:s12] =	ssyncset.done $0x0  }
0x19: {  	[sflag:s12] =	ssyncadd.s32 $0xFFFFFE00  }
0x1a: {  	s16 =	simm.s32 $0x4400;
	s14 =	rddreg [dreg:$0x3]  }
0x1b: {  	[tilespmem:s16], [sflag:$0x2] =	stream.linear.gather [hbm4b:s14+s2], $0x10, $0x38;
	[tilespmem:$0x4630] =	vst v63  }
0x1c: {  	_ =	swait.ge [sflag:s12], $0x10  }
0x1d: {  	[sflag:s12] =	ssyncset.done $0x0  }
0x1e: {  	s17 =	simm.s32 $0x400;
	[sflag:s12] =	ssyncadd.s32 $0xFFFFFFF0  }
0x1f: {  	[tilespmem:s17], [sflag:$0x1] =	stream.indirect.gather [hbm4b:s4+s15], $0x10, s2, s15, $0xb8;
	[tilespmem:$0x4630] =	vst v63  }
0x20: {  	s16 =	simm.s32 $0x2400  }
0x21: {  	[tilespmem:s16], [sflag:$0x1] =	stream.indirect.gather [hbm4b:s5+s15], $0x10, s13, s15, $0xb8;
	[tilespmem:$0x4630] =	vst v63  }
0x22: {  	_ = 	snop  }
0x23: {  	[tilespmem:s18], [sflag:$0x1] =	stream.indirect.gather [hbm4b:s4+s15], $0x10, s15, s15, $0xb8;
	[tilespmem:$0x4630] =	vst v63  }
0x24: {  	_ = 	snop  }
0x25: {  	[tilespmem:s20], [sflag:$0x1] =	stream.indirect.gather [hbm4b:s5+s15], $0x10, s19, s15, $0xb8;
	[tilespmem:$0x4630] =	vst v63  }
0x26: {  	_ = 	snop  }
0x27: {  	[tilespmem:s22], [sflag:$0x1] =	stream.indirect.gather [hbm4b:s4+s15], $0x10, s21, s15, $0xb8;
	[tilespmem:$0x4630] =	vst v63  }
0x28: {  	_ = 	snop  }
0x29: {  	[tilespmem:s24], [sflag:$0x1] =	stream.indirect.gather [hbm4b:s5+s15], $0x10, s23, s15, $0xb8;
	[tilespmem:$0x4630] =	vst v63  }
0x2a: {  	_ = 	snop  }
0x2b: {  	[tilespmem:s26], [sflag:$0x1] =	stream.indirect.gather [hbm4b:s4+s15], $0x10, s25, s15, $0xb8;
	[tilespmem:$0x4630] =	vst v63  }
0x2c: {  	_ = 	snop  }
0x2d: {  	[tilespmem:s29], [sflag:$0x1] =	stream.indirect.gather [hbm4b:s5+s15], $0x10, s28, s15, $0xb8;
	[tilespmem:$0x4630] =	vst v63  }
0x2e: {  	_ =	swait.ge [sflag:s30], $0x800  }
0x2f: {  	[sflag:s30] =	ssyncset.done $0x0  }
0x30: {  	[sflag:s30] =	ssyncadd.s32 $0xFFFFF800  }
0x31: {  	_ =	swait.ge [sflag:s30], $0x800  }
0x32: {  	[sflag:s30] =	ssyncset.done $0x0  }
0x33: {  	[sflag:s30] =	ssyncadd.s32 $0xFFFFF800  }
0x34: {  	_ =	swait.ge [sflag:s30], $0x800  }
0x35: {  	[sflag:s30] =	ssyncset.done $0x0  }
0x36: {  	[sflag:s30] =	ssyncadd.s32 $0xFFFFF800  }
0x37: {  	_ =	swait.ge [sflag:s30], $0x800  }
0x38: {  	[sflag:s30] =	ssyncset.done $0x0  }
0x39: {  	[sflag:s30] =	ssyncadd.s32 $0xFFFFF800  }
0x3a: {  	_ =	swait.ge [sflag:s30], $0x800  }
0x3b: {  	[sflag:s30] =	ssyncset.done $0x0  }
0x3c: {  	[sflag:s30] =	ssyncadd.s32 $0xFFFFF800  }
0x3d: {  	_ =	swait.ge [sflag:s30], $0x800  }
0x3e: {  	[sflag:s30] =	ssyncset.done $0x0  }
0x3f: {  	[sflag:s30] =	ssyncadd.s32 $0xFFFFF800  }
0x40: {  	_ =	swait.ge [sflag:s30], $0x800  }
0x41: {  	[sflag:s30] =	ssyncset.done $0x0  }
0x42: {  	[sflag:s30] =	ssyncadd.s32 $0xFFFFF800  }
0x43: {  	_ =	swait.ge [sflag:s30], $0x800  }
0x44: {  	[sflag:s30] =	ssyncset.done $0x0  }
0x45: {  	[sflag:s30] =	ssyncadd.s32 $0xFFFFF800  }
0x46: {  	s17 =	simm.s32 $0x0;
	v4 =	vld [tilespmem:$0x4400]  }
0x47: {  	v5 =	vld [tilespmem:s17+$0x4F0]  }
0x48: {  	v6 =	vld [tilespmem:s17+$0x24F0]  }
0x49: {  	v7 =	vld [tilespmem:s17+$0x4E0]  }
0x4a: {  	v12 =	vld [tilespmem:s17+$0x24E0]  }
0x4b: {  	v13 =	vld [tilespmem:s17+$0x4D0]  }
0x4c: {  	v16 =	vld [tilespmem:s17+$0x24D0]  }
0x4d: {  	v17 =	vld [tilespmem:s17+$0x4C0]  }
0x4e: {  	v15 =	vld [tilespmem:s17+$0x24C0];
	_ =	sdelay $0x1  }
0x4f: {  	v8 =	vmul.f32 v6, v5;
	v9 =	vmul.f32 v12, v7  }
0x50: {  	v11 =	vmul.f32 v16, v13;
	v28 =	vmul.f32 v5, v5  }
0x51: {  	v8 =	vmul.f32 v8, v4;
	v18 =	vmul.f32 v9, v4  }
0x52: {  	v9 =	vmul.f32 v15, v17;
	v19 =	vmul.f32 v11, v4  }
0x53: {  	v26 =	vmul.f32 v6, v6;
	v10 =	vperm.xlane v8, v0  }
0x54: {  	v14 =	vld [tilespmem:s17+$0x24B0];
	v20 =	vmul.f32 v9, v4;
	v6 =	vperm.xlane v19, v0  }
0x55: {  	v30 =	vmul.f32 v7, v7;
	v7 =	vld [tilespmem:s17+$0x2490];
	v5 =	vadd.f32 v8, v10;
	v10 =	vperm.xlane v18, v0  }
0x56: {  	v9 =	vld [tilespmem:s17+$0x4A0];
	v22 =	vperm.xlane v20, v0;
	v6 =	vadd.f32 v19, v6  }
0x57: {  	v8 =	vld [tilespmem:s17+$0x4B0];
	v11 =	vperm.xlane v5, v1;
	v21 =	vadd.f32 v18, v10  }
0x58: {  	v10 =	vld [tilespmem:s17+$0x24A0];
	v19 =	vadd.f32 v20, v22;
	v20 =	vmul.f32 v17, v17;
	v17 =	vperm.xlane v6, v1  }
0x59: {  	v27 =	vmul.f32 v12, v12;
	v5 =	vadd.f32 v5, v11;
	v11 =	vld [tilespmem:s17+$0x490]  }
0x5a: {  	v32 =	vmul.f32 v16, v16;
	v12 =	vperm.xlane v21, v1;
	v37 =	vadd.f32 v6, v17;
	v6 =	vld [tilespmem:s17+$0x460]  }
0x5b: {  	v36 =	vmul.f32 v13, v13;
	v18 =	vmul.f32 v15, v15;
	v17 =	vld [tilespmem:s17+$0x2460]  }
0x5c: {  	v22 =	vperm.xlane v5, v2;
	v35 =	vadd.f32 v21, v12;
	v21 =	vperm.xlane v19, v1  }
0x5d: {  	v15 =	vld [tilespmem:s17+$0x480];
	v40 =	vperm.xlane v37, v2;
	v16 =	vmul.f32 v10, v9  }
0x5e: {  	v12 =	vld [tilespmem:s17+$0x2480];
	v10 =	vmul.f32 v10, v10;
	v38 =	vperm.xlane v35, v2  }
0x5f: {  	v13 =	vld [tilespmem:s17+$0x2470];
	v23 =	vadd.f32 v5, v22;
	v22 =	vmul.f32 v14, v8;
	v25 =	vmul.f32 v16, v4  }
0x60: {  	v5 =	vld [tilespmem:s17+$0x470];
	v39 =	vadd.f32 v19, v21;
	v19 =	vmul.f32 v7, v11;
	v43 =	vmul.f32 v17, v6  }
0x61: {  	v21 =	vld [tilespmem:s17+$0x2450];
	v29 =	vperm.xlane v23, v3;
	v31 =	vmul.f32 v22, v4  }
0x62: {  	v16 =	vld [tilespmem:s17+$0x450];
	v41 =	vperm.xlane v39, v2;
	v33 =	vperm.xlane v25, v0  }
0x63: {  	v24 =	vld [tilespmem:s17+$0x2440];
	v22 =	vmul.f32 v12, v15;
	v42 =	vmul.f32 v19, v4  }
0x64: {  	v37 =	vadd.f32 v37, v40;
	v19 =	vld [tilespmem:s17+$0x440];
	v43 =	vmul.f32 v43, v4;
	v34 =	vperm.xlane v31, v0  }
0x65: {  	v50 =	vld [tilespmem:s17+$0x2400];
	v35 =	vadd.f32 v35, v38;
	v44 =	vmul.f32 v13, v5;
	v45 =	vmul.f32 v22, v4  }
0x66: {  	v54 =	vld [tilespmem:s17+$0x2420];
	v46 =	vperm.xlane v42, v0;
	v33 =	vadd.f32 v25, v33;
	v56 =	vperm.xlane v43, v0  }
0x67: {  	v22 =	vld [tilespmem:s17+$0x430];
	v48 =	vadd.f32 v31, v34;
	v55 =	vmul.f32 v21, v16;
	v44 =	vmul.f32 v44, v4  }
0x68: {  	v39 =	vadd.f32 v39, v41;
	v25 =	vld [tilespmem:s17+$0x420];
	v47 =	vperm.xlane v45, v0;
	v57 =	vperm.xlane v33, v1  }
0x69: {  	v34 =	vld [tilespmem:s17+$0x400];
	v42 =	vadd.f32 v42, v46;
	v58 =	vperm.xlane v48, v1;
	v40 =	vmul.f32 v24, v19  }
0x6a: {  	v31 =	vld [tilespmem:s17+$0x2430];
	v43 =	vadd.f32 v43, v56;
	v55 =	vmul.f32 v55, v4;
	v49 =	vperm.xlane v44, v0  }
0x6b: {  	v45 =	vadd.f32 v45, v47;
	v59 =	vperm.xlane v42, v1;
	v46 =	vadd.f32 v33, v57;
	v33 =	vld [tilespmem:s17+$0x410]  }
0x6c: {  	v60 =	vperm.xlane v43, v1;
	v40 =	vmul.f32 v40, v4;
	v44 =	vadd.f32 v44, v49;
	v49 =	vld [tilespmem:s17+$0x2410]  }
0x6d: {  	v47 =	vadd.f32 v48, v58;
	v51 =	vperm.xlane v45, v1;
	v61 =	vperm.xlane v46, v2  }
0x6e: {  	v42 =	vadd.f32 v42, v59;
	v63 =	vmul.f32 v50, v34;
	v59 =	vmul.f32 v54, v25  }
0x6f: {  	v43 =	vadd.f32 v43, v60;
	v60 =	vmul.f32 v31, v22;
	v53 =	vperm.xlane v47, v2  }
0x70: {  	v23 =	vadd.f32 v23, v29;
	v52 =	vperm.xlane v44, v1;
	v62 =	vperm.xlane v42, v2  }
0x71: {  	v45 =	vadd.f32 v45, v51;
	v38 =	vperm.xlane v43, v2;
	v58 =	vmul.f32 v49, v33  }
0x72: {  	v41 =	vmul.f32 v63, v4;
	v46 =	vadd.f32 v46, v61;
	v51 =	vmul.f32 v59, v4  }
0x73: {  	v47 =	vadd.f32 v47, v53;
	v53 =	vmul.f32 v60, v4;
	v58 =	vmul.f32 v58, v4  }
0x74: {  	v44 =	vadd.f32 v44, v52;
	v56 =	vperm.xlane v45, v2;
	v61 =	vperm.xlane v41, v0  }
0x75: {  	v42 =	vadd.f32 v42, v62;
	v63 =	vperm.xlane v51, v0;
	v62 =	vperm.xlane v58, v0  }
0x76: {  	v38 =	vadd.f32 v43, v38;
	v60 =	vperm.xlane v53, v0;
	v41 =	vadd.f32 v41, v61  }
0x77: {  	v57 =	vperm.xlane v44, v2;
	v45 =	vadd.f32 v45, v56;
	v48 =	vadd.f32 v58, v62  }
0x78: {  	v51 =	vadd.f32 v51, v63;
	v61 =	vperm.xlane v40, v0;
	v63 =	vperm.xlane v41, v1  }
0x79: {  	v53 =	vadd.f32 v53, v60;
	v62 =	vperm.xlane v55, v0;
	v60 =	vperm.xlane v48, v1  }
0x7a: {  	v40 =	vadd.f32 v40, v61;
	v61 =	vperm.xlane v51, v1;
	v41 =	vadd.f32 v41, v63  }
0x7b: {  	v55 =	vadd.f32 v55, v62;
	v62 =	vperm.xlane v53, v1;
	v48 =	vadd.f32 v48, v60  }
0x7c: {  	v51 =	vadd.f32 v51, v61;
	v63 =	vperm.xlane v40, v1;
	v59 =	vperm.xlane v41, v2  }
0x7d: {  	v58 =	vperm.xlane v55, v1;
	v53 =	vadd.f32 v53, v62;
	v60 =	vperm.xlane v48, v2  }
0x7e: {  	v40 =	vadd.f32 v40, v63;
	v61 =	vperm.xlane v51, v2;
	v41 =	vadd.f32 v41, v59  }
0x7f: {  	v55 =	vadd.f32 v55, v58;
	v62 =	vperm.xlane v53, v2;
	v48 =	vadd.f32 v48, v60  }
0x80: {  	v51 =	vadd.f32 v51, v61;
	v63 =	vperm.xlane v40, v2;
	v59 =	vperm.xlane v41, v3  }
0x81: {  	v58 =	vperm.xlane v55, v2;
	v53 =	vadd.f32 v53, v62;
	v60 =	vperm.xlane v48, v3  }
0x82: {  	v40 =	vadd.f32 v40, v63;
	v61 =	vperm.xlane v51, v3;
	v41 =	vadd.f32 v41, v59  }
0x83: {  	v55 =	vadd.f32 v55, v58;
	v62 =	vperm.xlane v53, v3;
	v48 =	vadd.f32 v48, v60  }
0x84: {  	v44 =	vadd.f32 v44, v57;
	v51 =	vadd.f32 v51, v61;
	v63 =	vperm.xlane v40, v3  }
0x85: {  	v60 =	vadd.f32 v53, v62;
	v61 =	vperm.xlane v55, v3;
	v41 =	vsel vm0, v41, v48  }
0x86: {  	v40 =	vadd.f32 v40, v63;
	v62 =	vperm.xlane v38, v3;
	v41 =	vsel vm1, v41, v51  }
0x87: {  	v53 =	vperm.xlane v44, v3;
	v63 =	vadd.f32 v55, v61;
	v41 =	vsel vm2, v41, v60  }
0x88: {  	v38 =	vadd.f32 v38, v62;
	v55 =	vperm.xlane v45, v3;
	v40 =	vsel vm3, v41, v40  }
0x89: {  	v57 =	vperm.xlane v42, v3;
	v56 =	vadd.f32 v44, v53;
	v40 =	vsel vm4, v40, v63  }
0x8a: {  	v59 =	vperm.xlane v46, v3;
	v58 =	vadd.f32 v45, v55;
	v38 =	vsel vm5, v40, v38  }
0x8b: {  	v42 =	vadd.f32 v42, v57;
	v60 =	vperm.xlane v47, v3;
	v38 =	vsel vm6, v38, v56  }
0x8c: {  	v61 =	vperm.xlane v39, v3;
	v62 =	vadd.f32 v46, v59;
	v38 =	vsel vm7, v38, v58  }
0x8d: {  	v63 =	vperm.xlane v37, v3;
	v45 =	vadd.f32 v47, v60;
	v38 =	vsel vm8, v38, v42  }
0x8e: {  	v46 =	vperm.xlane v35, v3;
	v39 =	vadd.f32 v39, v61;
	v38 =	vsel vm9, v38, v62  }
0x8f: {  	v47 =	vmul.f32 v50, v50;
	v37 =	vadd.f32 v37, v63;
	v38 =	vsel vm10, v38, v45  }
0x90: {  	v52 =	vimm.f32 $0.0e+00;
	v29 =	vadd.f32 v35, v46;
	v48 =	vsel vm11, v38, v39  }
0x91: {  	v49 =	vmul.f32 v49, v49;
	v50 =	vadd.f32 v47, v52;
	v35 =	vsel vm12, v48, v37  }
0x92: {  	v41 =	vmul.f32 v14, v14;
	v40 =	vmul.f32 v8, v8;
	v8 =	vsel vm13, v35, v29  }
0x93: {  	v14 =	vmul.f32 v54, v54;
	v29 =	vadd.f32 v49, v50;
	v8 =	vsel vm14, v8, v23  }
0x94: {  	s16 =	simm.s32 $0x100;
	v23 =	vmul.f32 v9, v9;
	v9 =	vmul.f32 v34, v34;
	[tilespmem:s31+$0x0] =	vst v8  }
0x95: {  	v17 =	vmul.f32 v17, v17;
	v8 =	vmul.f32 v31, v31;
	v14 =	vadd.f32 v14, v29;
	v29 =	vld [tilespmem:s16+$0x4F0]  }
0x96: {  	v31 =	vmul.f32 v11, v11;
	v11 =	vmul.f32 v33, v33;
	v9 =	vadd.f32 v9, v52;
	v51 =	vld [tilespmem:s16+$0x24F0]  }
0x97: {  	v15 =	vmul.f32 v15, v15;
	v24 =	vmul.f32 v24, v24;
	v53 =	vld [tilespmem:s16+$0x24D0];
	v8 =	vadd.f32 v8, v14  }
0x98: {  	v52 =	vmul.f32 v7, v7;
	v7 =	vmul.f32 v25, v25;
	v14 =	vld [tilespmem:s16+$0x4E0];
	v9 =	vadd.f32 v11, v9  }
0x99: {  	v12 =	vmul.f32 v12, v12;
	v21 =	vmul.f32 v21, v21;
	v11 =	vld [tilespmem:s16+$0x24E0];
	v8 =	vadd.f32 v24, v8  }
0x9a: {  	v16 =	vmul.f32 v16, v16;
	v22 =	vmul.f32 v22, v22;
	v24 =	vld [tilespmem:s16+$0x4D0];
	v7 =	vadd.f32 v7, v9  }
0x9b: {  	v54 =	vmul.f32 v5, v5;
	v9 =	vmul.f32 v13, v13;
	v8 =	vadd.f32 v21, v8  }
0x9c: {  	v13 =	vmul.f32 v19, v19;
	v19 =	vld [tilespmem:s16+$0x4C0];
	v21 =	vmul.f32 v51, v29;
	v7 =	vadd.f32 v22, v7  }
0x9d: {  	v25 =	vmul.f32 v6, v6;
	v5 =	vmul.f32 v29, v29;
	v22 =	vld [tilespmem:s16+$0x24C0];
	v8 =	vadd.f32 v17, v8  }
0x9e: {  	v57 =	vld [tilespmem:s16+$0x4B0];
	v6 =	vmul.f32 v51, v51;
	v7 =	vadd.f32 v13, v7;
	v13 =	vmul.f32 v21, v4  }
0x9f: {  	v58 =	vld [tilespmem:s16+$0x24B0];
	v21 =	vmul.f32 v53, v24;
	v8 =	vadd.f32 v9, v8;
	v9 =	vmul.f32 v11, v14  }
0xa0: {  	v60 =	vld [tilespmem:s16+$0x490];
	v16 =	vadd.f32 v16, v7;
	v17 =	vperm.xlane v13, v0;
	v7 =	vmul.f32 v14, v14  }
0xa1: {  	v61 =	vld [tilespmem:s16+$0x2490];
	v14 =	vmul.f32 v21, v4;
	v9 =	vmul.f32 v9, v4  }
0xa2: {  	v8 =	vadd.f32 v12, v8;
	v12 =	vmul.f32 v22, v19;
	v13 =	vadd.f32 v13, v17  }
0xa3: {  	v16 =	vadd.f32 v25, v16;
	v29 =	vperm.xlane v14, v0;
	v17 =	vperm.xlane v9, v0  }
0xa4: {  	v12 =	vmul.f32 v12, v4;
	v21 =	vadd.f32 v52, v8;
	v8 =	vmul.f32 v11, v11  }
0xa5: {  	v52 =	vmul.f32 v58, v57;
	v25 =	vperm.xlane v13, v1  }
0xa6: {  	v16 =	vadd.f32 v54, v16;
	v14 =	vadd.f32 v14, v29;
	v54 =	vmul.f32 v61, v60  }
0xa7: {  	v55 =	vperm.xlane v12, v0;
	v17 =	vadd.f32 v9, v17;
	v56 =	vadd.f32 v10, v21  }
0xa8: {  	v13 =	vadd.f32 v13, v25;
	v15 =	vadd.f32 v15, v16;
	v16 =	vperm.xlane v14, v1  }
0xa9: {  	v9 =	vmul.f32 v22, v22;
	v42 =	vmul.f32 v54, v4;
	v10 =	vadd.f32 v12, v55  }
0xaa: {  	v59 =	vld [tilespmem:s16+$0x24A0];
	v11 =	vperm.xlane v17, v1;
	v12 =	vperm.xlane v13, v2;
	v16 =	vadd.f32 v14, v16  }
0xab: {  	v22 =	vadd.f32 v31, v15;
	v14 =	vmul.f32 v58, v58;
	v21 =	vperm.xlane v10, v1  }
0xac: {  	v17 =	vadd.f32 v17, v11;
	v11 =	vmul.f32 v19, v19;
	v19 =	vld [tilespmem:s16+$0x4A0];
	v25 =	vadd.f32 v13, v12  }
0xad: {  	v12 =	vmul.f32 v53, v53;
	v15 =	vperm.xlane v16, v2;
	v22 =	vadd.f32 v23, v22  }
0xae: {  	v62 =	vld [tilespmem:s16+$0x480];
	v21 =	vadd.f32 v10, v21;
	v13 =	vperm.xlane v17, v2;
	v10 =	vmul.f32 v24, v24  }
0xaf: {  	v63 =	vld [tilespmem:s16+$0x2480];
	v29 =	vperm.xlane v25, v3;
	v33 =	vadd.f32 v16, v15;
	v16 =	vmul.f32 v59, v59  }
0xb0: {  	v24 =	vperm.xlane v21, v2;
	v31 =	vadd.f32 v17, v13;
	v13 =	vmul.f32 v57, v57  }
0xb1: {  	v23 =	vld [tilespmem:s16+$0x2470];
	v50 =	vadd.f32 v40, v22;
	v17 =	vmul.f32 v60, v60;
	v15 =	vmul.f32 v19, v19  }
0xb2: {  	v22 =	vld [tilespmem:s16+$0x460];
	v37 =	vperm.xlane v33, v3;
	v34 =	vadd.f32 v21, v24;
	v24 =	vadd.f32 v41, v56  }
0xb3: {  	v51 =	vmul.f32 v59, v19;
	v19 =	vmul.f32 v61, v61;
	v38 =	vadd.f32 v20, v50;
	v21 =	vld [tilespmem:s16+$0x470]  }
0xb4: {  	v20 =	vmul.f32 v63, v63;
	v59 =	vmul.f32 v63, v62;
	v53 =	vadd.f32 v18, v24;
	v24 =	vld [tilespmem:s16+$0x2460]  }
0xb5: {  	v35 =	vperm.xlane v31, v3;
	v41 =	vmul.f32 v52, v4  }
0xb6: {  	v40 =	vmul.f32 v51, v4;
	v45 =	vmul.f32 v59, v4  }
0xb7: {  	v36 =	vadd.f32 v36, v38;
	v39 =	vperm.xlane v34, v3;
	v18 =	vmul.f32 v62, v62  }
0xb8: {  	v44 =	vld [tilespmem:s16+$0x2400];
	v62 =	vperm.xlane v42, v0;
	v55 =	vperm.xlane v40, v0;
	v32 =	vadd.f32 v32, v53  }
0xb9: {  	v43 =	vld [tilespmem:s16+$0x400];
	v36 =	vadd.f32 v30, v36;
	v61 =	vmul.f32 v23, v21;
	v60 =	vmul.f32 v24, v22  }
0xba: {  	v38 =	vld [tilespmem:s16+$0x2440];
	v56 =	vperm.xlane v41, v0;
	v48 =	vadd.f32 v42, v62;
	v58 =	vadd.f32 v27, v32  }
0xbb: {  	v30 =	vld [tilespmem:s16+$0x440];
	v57 =	vadd.f32 v40, v55;
	v47 =	vmul.f32 v61, v4;
	v49 =	vmul.f32 v60, v4  }
0xbc: {  	v63 =	vperm.xlane v45, v0;
	v42 =	vld [tilespmem:s16+$0x410];
	v26 =	vadd.f32 v26, v58;
	v58 =	vadd.f32 v41, v56  }
0xbd: {  	v28 =	vadd.f32 v28, v36;
	v36 =	vld [tilespmem:s16+$0x430];
	v60 =	vperm.xlane v47, v0;
	v59 =	vperm.xlane v49, v0  }
0xbe: {  	v46 =	vadd.f32 v45, v63;
	v27 =	vld [tilespmem:s16+$0x450];
	v61 =	vperm.xlane v57, v1;
	v62 =	vperm.xlane v58, v1  }
0xbf: {  	v32 =	vld [tilespmem:s16+$0x2450];
	v63 =	vperm.xlane v48, v1;
	v51 =	vadd.f32 v47, v60;
	v50 =	vadd.f32 v49, v59  }
0xc0: {  	v40 =	vld [tilespmem:s16+$0x420];
	v53 =	vperm.xlane v46, v1;
	v47 =	vadd.f32 v57, v61;
	v49 =	vadd.f32 v58, v62  }
0xc1: {  	s14 =	simm.s32 $0x4410;
	s17 =	simm.s32 $0x800;
	v41 =	vld [tilespmem:s16+$0x2430];
	v48 =	vadd.f32 v48, v63;
	v54 =	vperm.xlane v51, v1;
	v52 =	vperm.xlane v50, v1  }
.LBB2_2:
0xc2: {  	p0 =	sne.s32 s17, $0x7C00;
	v45 =	vld [tilespmem:s16+$0x2410];
	v53 =	vadd.f32 v46, v53;
	v55 =	vperm.xlane v47, v2;
	v56 =	vperm.xlane v49, v2  }
0xc3: {  	v46 =	vld [tilespmem:s16+$0x2420];
	v50 =	vadd.f32 v50, v52;
	v51 =	vadd.f32 v51, v54;
	v52 =	vperm.xlane v48, v2  }
0xc4: {  	v25 =	vadd.f32 v25, v29;
	v54 =	vmul.f32 v32, v27;
	v57 =	vperm.xlane v53, v2  }
0xc5: {  	v29 =	vadd.f32 v31, v35;
	v58 =	vperm.xlane v50, v2;
	v59 =	vperm.xlane v51, v2  }
0xc6: {  	v35 =	vmul.f32 v38, v30;
	v31 =	vadd.f32 v33, v37;
	v54 =	vmul.f32 v54, v4  }
0xc7: {  	v34 =	vadd.f32 v34, v39;
	v33 =	vmul.f32 v44, v43;
	v37 =	vmul.f32 v45, v42  }
0xc8: {  	v60 =	vmul.f32 v41, v36;
	v49 =	vadd.f32 v49, v56;
	v39 =	vmul.f32 v46, v40  }
0xc9: {  	v47 =	vadd.f32 v47, v55;
	v33 =	vmul.f32 v33, v4;
	v37 =	vmul.f32 v37, v4  }
0xca: {  	v55 =	vmul.f32 v60, v4;
	v48 =	vadd.f32 v48, v52;
	v39 =	vmul.f32 v39, v4  }
0xcb: {  	v53 =	vadd.f32 v53, v57;
	v52 =	vperm.xlane v33, v0;
	v56 =	vperm.xlane v37, v0  }
0xcc: {  	v35 =	vmul.f32 v35, v4;
	v51 =	vadd.f32 v51, v59;
	v57 =	vperm.xlane v39, v0  }
0xcd: {  	v33 =	vadd.f32 v33, v52;
	v52 =	vperm.xlane v55, v0;
	v37 =	vadd.f32 v37, v56  }
0xce: {  	v56 =	vperm.xlane v35, v0;
	v39 =	vadd.f32 v39, v57;
	v57 =	vperm.xlane v54, v0  }
0xcf: {  	v59 =	vperm.xlane v33, v1;
	v52 =	vadd.f32 v55, v52;
	v60 =	vperm.xlane v37, v1  }
0xd0: {  	v35 =	vadd.f32 v35, v56;
	v55 =	vperm.xlane v39, v1;
	v54 =	vadd.f32 v54, v57  }
0xd1: {  	v33 =	vadd.f32 v33, v59;
	v56 =	vperm.xlane v52, v1;
	v37 =	vadd.f32 v37, v60  }
0xd2: {  	v39 =	vadd.f32 v39, v55;
	v55 =	vperm.xlane v35, v1;
	v57 =	vperm.xlane v54, v1  }
0xd3: {  	v59 =	vperm.xlane v33, v2;
	v52 =	vadd.f32 v52, v56;
	v60 =	vperm.xlane v37, v2  }
0xd4: {  	v56 =	vperm.xlane v39, v2;
	v35 =	vadd.f32 v35, v55;
	v54 =	vadd.f32 v54, v57  }
0xd5: {  	v33 =	vadd.f32 v33, v59;
	v55 =	vperm.xlane v52, v2;
	v37 =	vadd.f32 v37, v60  }
0xd6: {  	v39 =	vadd.f32 v39, v56;
	v56 =	vperm.xlane v35, v2;
	v57 =	vperm.xlane v54, v2  }
0xd7: {  	v59 =	vperm.xlane v33, v3;
	v52 =	vadd.f32 v52, v55;
	v60 =	vperm.xlane v37, v3  }
0xd8: {  	v55 =	vperm.xlane v39, v3;
	v35 =	vadd.f32 v35, v56;
	v54 =	vadd.f32 v54, v57  }
0xd9: {  	v33 =	vadd.f32 v33, v59;
	v56 =	vperm.xlane v52, v3;
	v37 =	vadd.f32 v37, v60  }
0xda: {  	v50 =	vadd.f32 v50, v58;
	v39 =	vadd.f32 v39, v55;
	v55 =	vperm.xlane v35, v3  }
0xdb: {  	v33 =	vsel vm0, v33, v37;
	v37 =	vadd.f32 v52, v56;
	v52 =	vperm.xlane v54, v3  }
0xdc: {  	v33 =	vsel vm1, v33, v39;
	v35 =	vadd.f32 v35, v55;
	v39 =	vperm.xlane v50, v3  }
0xdd: {  	v33 =	vsel vm2, v33, v37;
	v37 =	vadd.f32 v54, v52;
	v52 =	vperm.xlane v51, v3  }
0xde: {  	v33 =	vsel vm3, v33, v35;
	v35 =	vadd.f32 v50, v39;
	v39 =	vperm.xlane v53, v3  }
0xdf: {  	v50 =	vperm.xlane v48, v3;
	v33 =	vsel vm4, v33, v37;
	v37 =	vadd.f32 v51, v52  }
0xe0: {  	v33 =	vsel vm5, v33, v35;
	v35 =	vadd.f32 v53, v39;
	v39 =	vperm.xlane v47, v3  }
0xe1: {  	v33 =	vsel vm6, v33, v37;
	v37 =	vadd.f32 v48, v50;
	v48 =	vperm.xlane v49, v3  }
0xe2: {  	v44 =	vmul.f32 v44, v44;
	v33 =	vsel vm7, v33, v35;
	v35 =	vadd.f32 v47, v39  }
0xe3: {  	v39 =	vmul.f32 v45, v45;
	v33 =	vsel vm8, v33, v37;
	v37 =	vadd.f32 v49, v48  }
0xe4: {  	v26 =	vadd.f32 v44, v26;
	v44 =	vmul.f32 v46, v46;
	v33 =	vsel vm9, v33, v35  }
0xe5: {  	v38 =	vmul.f32 v38, v38;
	v35 =	vmul.f32 v41, v41;
	v33 =	vsel vm10, v33, v37  }
0xe6: {  	v32 =	vmul.f32 v32, v32;
	v26 =	vadd.f32 v39, v26;
	v33 =	vsel vm11, v33, v34  }
0xe7: {  	v24 =	vmul.f32 v24, v24;
	v23 =	vmul.f32 v23, v23;
	v31 =	vsel vm12, v33, v31  }
0xe8: {  	v26 =	vadd.f32 v44, v26;
	v33 =	vmul.f32 v43, v43;
	v29 =	vsel vm13, v31, v29  }
0xe9: {  	s14 =	sadd.s32 $0x10, s14;
	v34 =	vmul.f32 v40, v40;
	v31 =	vmul.f32 v42, v42;
	v25 =	vsel vm14, v29, v25  }
0xea: {  	s16 =	sshra.s32 s17, $0x2;
	v26 =	vadd.f32 v35, v26;
	v28 =	vadd.f32 v33, v28;
	v29 =	vmul.f32 v36, v36;
	[tilespmem:s14+$0x0] =	vst v25  }
0xeb: {  	v30 =	vmul.f32 v30, v30;
	v27 =	vmul.f32 v27, v27;
	v25 =	vld [tilespmem:s16+$0x4F0]  }
0xec: {  	v22 =	vmul.f32 v22, v22;
	v26 =	vadd.f32 v38, v26;
	v28 =	vadd.f32 v31, v28;
	v33 =	vld [tilespmem:s16+$0x24F0]  }
0xed: {  	v21 =	vmul.f32 v21, v21  }
0xee: {  	v26 =	vadd.f32 v32, v26;
	v28 =	vadd.f32 v34, v28;
	_ =	sdelay $0x1  }
0xef: {  	v24 =	vadd.f32 v24, v26;
	v28 =	vadd.f32 v29, v28;
	v32 =	vmul.f32 v25, v25  }
0xf0: {  	v26 =	vld [tilespmem:s16+$0x4E0];
	v29 =	vmul.f32 v33, v33;
	v25 =	vmul.f32 v33, v25  }
0xf1: {  	v23 =	vadd.f32 v23, v24;
	v28 =	vadd.f32 v30, v28;
	v31 =	vld [tilespmem:s16+$0x24E0]  }
0xf2: {  	v24 =	vld [tilespmem:s16+$0x4D0];
	v25 =	vmul.f32 v25, v4  }
0xf3: {  	v20 =	vadd.f32 v20, v23;
	v27 =	vadd.f32 v27, v28;
	v30 =	vld [tilespmem:s16+$0x24D0]  }
0xf4: {  	v23 =	vld [tilespmem:s16+$0x4C0];
	v28 =	vperm.xlane v25, v0  }
0xf5: {  	v19 =	vadd.f32 v19, v20;
	v22 =	vadd.f32 v22, v27;
	v33 =	vld [tilespmem:s16+$0x24C0];
	v34 =	vmul.f32 v26, v26  }
0xf6: {  	v20 =	vmul.f32 v31, v31;
	v25 =	vadd.f32 v25, v28  }
0xf7: {  	v16 =	vadd.f32 v16, v19;
	v26 =	vmul.f32 v31, v26;
	v21 =	vadd.f32 v21, v22  }
0xf8: {  	v19 =	vmul.f32 v30, v24;
	v22 =	vperm.xlane v25, v1  }
0xf9: {  	v14 =	vadd.f32 v14, v16;
	v26 =	vmul.f32 v26, v4;
	v18 =	vadd.f32 v18, v21  }
0xfa: {  	v16 =	vmul.f32 v33, v23;
	v19 =	vmul.f32 v19, v4  }
0xfb: {  	v14 =	vadd.f32 v9, v14;
	v21 =	vperm.xlane v26, v0;
	v17 =	vadd.f32 v17, v18  }
0xfc: {  	v22 =	vadd.f32 v25, v22;
	v16 =	vmul.f32 v16, v4;
	v18 =	vperm.xlane v19, v0  }
0xfd: {  	v9 =	vmul.f32 v33, v33;
	v12 =	vadd.f32 v12, v14;
	v15 =	vadd.f32 v15, v17  }
0xfe: {  	v14 =	vperm.xlane v16, v0;
	v17 =	vadd.f32 v19, v18;
	v18 =	vadd.f32 v26, v21  }
0xff: {  	v12 =	vadd.f32 v8, v12;
	v8 =	vmovc v20;
	v19 =	vmul.f32 v23, v23;
	v13 =	vadd.f32 v13, v15  }
0x100: {  	v14 =	vadd.f32 v16, v14;
	v15 =	vperm.xlane v18, v1;
	v16 =	vperm.xlane v22, v2  }
0x101: {  	v26 =	vadd.f32 v6, v12;
	v6 =	vmovc v29;
	v21 =	vperm.xlane v17, v1;
	v13 =	vadd.f32 v11, v13;
	v20 =	vld [tilespmem:s16+$0x4B0]  }
0x102: {  	v11 =	vmovc v19;
	v27 =	vld [tilespmem:s16+$0x24B0];
	v23 =	vperm.xlane v14, v1;
	v15 =	vadd.f32 v18, v15;
	v25 =	vadd.f32 v22, v16  }
0x103: {  	v12 =	vmul.f32 v30, v30;
	v16 =	vadd.f32 v17, v21;
	v13 =	vadd.f32 v10, v13;
	v18 =	vld [tilespmem:s16+$0x4A0]  }
0x104: {  	v10 =	vmul.f32 v24, v24;
	v19 =	vld [tilespmem:s16+$0x24A0];
	v17 =	vadd.f32 v14, v23;
	v14 =	vperm.xlane v15, v2  }
0x105: {  	v21 =	vperm.xlane v16, v2;
	v29 =	vperm.xlane v25, v3;
	v22 =	vadd.f32 v7, v13;
	v7 =	vmovc v34;
	v30 =	vld [tilespmem:s16+$0x490]  }
0x106: {  	v36 =	vld [tilespmem:s16+$0x2490];
	v13 =	vmul.f32 v20, v20;
	v23 =	vperm.xlane v17, v2;
	v31 =	vadd.f32 v15, v14  }
0x107: {  	v33 =	vadd.f32 v16, v21;
	v28 =	vadd.f32 v5, v22;
	v5 =	vmovc v32;
	v38 =	vld [tilespmem:s16+$0x480];
	v14 =	vmul.f32 v27, v27  }
0x108: {  	v32 =	vld [tilespmem:s16+$0x2480];
	v15 =	vmul.f32 v18, v18;
	v34 =	vadd.f32 v17, v23;
	v35 =	vperm.xlane v31, v3  }
0x109: {  	v37 =	vperm.xlane v33, v3;
	v21 =	vld [tilespmem:s16+$0x470];
	v16 =	vmul.f32 v19, v19  }
0x10a: {  	v23 =	vld [tilespmem:s16+$0x2470];
	v17 =	vmul.f32 v30, v30;
	v39 =	vperm.xlane v34, v3  }
0x10b: {  	v20 =	vmul.f32 v27, v20;
	v40 =	vmul.f32 v19, v18;
	v22 =	vld [tilespmem:s16+$0x460]  }
0x10c: {  	v19 =	vmul.f32 v36, v36;
	v24 =	vld [tilespmem:s16+$0x2460];
	v18 =	vmul.f32 v38, v38  }
0x10d: {  	v41 =	vmul.f32 v20, v4;
	v40 =	vmul.f32 v40, v4  }
0x10e: {  	v30 =	vmul.f32 v36, v30;
	v20 =	vmul.f32 v32, v32  }
0x10f: {  	v43 =	vperm.xlane v41, v0;
	v42 =	vperm.xlane v40, v0  }
0x110: {  	v36 =	vmul.f32 v32, v38;
	v44 =	vmul.f32 v30, v4;
	v27 =	vld [tilespmem:s16+$0x450]  }
0x111: {  	v46 =	vmul.f32 v23, v21;
	v32 =	vld [tilespmem:s16+$0x2450];
	v45 =	vmul.f32 v24, v22  }
0x112: {  	v47 =	vmul.f32 v36, v4;
	v48 =	vperm.xlane v44, v0;
	v30 =	vld [tilespmem:s16+$0x440]  }
0x113: {  	v49 =	vmul.f32 v46, v4;
	v38 =	vld [tilespmem:s16+$0x2440];
	v45 =	vmul.f32 v45, v4  }
0x114: {  	v52 =	vadd.f32 v41, v43;
	v42 =	vadd.f32 v40, v42;
	v46 =	vperm.xlane v47, v0;
	v36 =	vld [tilespmem:s16+$0x430]  }
.Ltmp0:
0x115: {  	v48 =	vadd.f32 v44, v48;
	v51 =	vperm.xlane v49, v0;
	v41 =	vld [tilespmem:s16+$0x2430];
	v43 =	vperm.xlane v45, v0;
	(pc) =	sbr.rel @p0 .LBB2_2-.Ltmp0, $4  }
0x116: {  	v54 =	vperm.xlane v52, v1;
	v46 =	vadd.f32 v47, v46;
	v47 =	vperm.xlane v42, v1;
	v40 =	vld [tilespmem:s16+$0x420]  }
0x117: {  	v51 =	vadd.f32 v49, v51;
	v44 =	vld [tilespmem:s16+$0x2400];
	v50 =	vadd.f32 v45, v43;
	v45 =	vperm.xlane v48, v1  }
0x118: {  	v53 =	vperm.xlane v46, v1;
	v47 =	vadd.f32 v42, v47;
	v49 =	vadd.f32 v52, v54;
	v43 =	vld [tilespmem:s16+$0x400]  }
0x119: {  	s17 =	sadd.s32 $0x400, s17;
	v54 =	vperm.xlane v51, v1;
	v42 =	vld [tilespmem:s16+$0x410];
	v52 =	vperm.xlane v50, v1;
	v48 =	vadd.f32 v48, v45  }
0x11a: {  	v46 =	vadd.f32 v46, v53;
	v53 =	vperm.xlane v47, v2  }
0x11b: {  	v56 =	vperm.xlane v49, v2;
	v57 =	vmul.f32 v32, v27  }
0x11c: {  	v45 =	vld [tilespmem:s16+$0x2410];
	v60 =	vmul.f32 v38, v30;
	v22 =	vmul.f32 v22, v22  }
0x11d: {  	v55 =	vld [tilespmem:s16+$0x2420];
	v24 =	vmul.f32 v24, v24;
	v21 =	vmul.f32 v21, v21  }
0x11e: {  	v51 =	vadd.f32 v51, v54;
	v54 =	vperm.xlane v48, v2;
	v58 =	vperm.xlane v46, v2  }
0x11f: {  	v57 =	vmul.f32 v57, v4;
	v49 =	vadd.f32 v49, v56;
	v56 =	vmul.f32 v41, v36  }
0x120: {  	v59 =	vperm.xlane v51, v2;
	v61 =	vmul.f32 v44, v43  }
0x121: {  	v50 =	vadd.f32 v50, v52;
	v56 =	vmul.f32 v56, v4;
	v52 =	vmul.f32 v45, v42  }
0x122: {  	v47 =	vadd.f32 v47, v53;
	v62 =	vmul.f32 v55, v40;
	v61 =	vmul.f32 v61, v4  }
0x123: {  	v48 =	vadd.f32 v48, v54;
	v45 =	vmul.f32 v45, v45;
	v52 =	vmul.f32 v52, v4  }
0x124: {  	v46 =	vadd.f32 v46, v58;
	v53 =	vmul.f32 v62, v4;
	v54 =	vperm.xlane v61, v0  }
0x125: {  	v51 =	vadd.f32 v51, v59;
	v4 =	vmul.f32 v60, v4;
	v58 =	vperm.xlane v52, v0  }
0x126: {  	v55 =	vmul.f32 v55, v55;
	v60 =	vperm.xlane v53, v0;
	v54 =	vadd.f32 v61, v54  }
0x127: {  	v59 =	vperm.xlane v4, v0;
	v52 =	vadd.f32 v52, v58;
	v58 =	vperm.xlane v56, v0  }
0x128: {  	v53 =	vadd.f32 v53, v60;
	v60 =	vperm.xlane v57, v0;
	v61 =	vperm.xlane v54, v1  }
0x129: {  	v4 =	vadd.f32 v4, v59;
	v56 =	vadd.f32 v56, v58;
	v63 =	vperm.xlane v52, v1  }
0x12a: {  	v59 =	vperm.xlane v53, v1;
	v57 =	vadd.f32 v57, v60;
	v54 =	vadd.f32 v54, v61  }
0x12b: {  	v60 =	vperm.xlane v4, v1;
	v52 =	vadd.f32 v52, v63;
	v58 =	vperm.xlane v56, v1  }
0x12c: {  	v53 =	vadd.f32 v53, v59;
	v59 =	vperm.xlane v57, v1;
	v61 =	vperm.xlane v54, v2  }
0x12d: {  	v4 =	vadd.f32 v4, v60;
	v60 =	vperm.xlane v50, v2;
	v63 =	vmul.f32 v43, v43  }
0x12e: {  	v56 =	vadd.f32 v56, v58;
	v58 =	vperm.xlane v52, v2;
	v57 =	vadd.f32 v57, v59  }
0x12f: {  	v59 =	vperm.xlane v53, v2;
	v54 =	vadd.f32 v54, v61;
	v61 =	vmul.f32 v44, v44  }
0x130: {  	v28 =	vadd.f32 v63, v28;
	v52 =	vadd.f32 v52, v58;
	v62 =	vperm.xlane v56, v2  }
0x131: {  	v63 =	vmul.f32 v40, v40;
	v53 =	vadd.f32 v53, v59;
	v26 =	vadd.f32 v61, v26  }
0x132: {  	v59 =	vperm.xlane v4, v2;
	v56 =	vadd.f32 v56, v62;
	v62 =	vmul.f32 v42, v42  }
0x133: {  	v58 =	vperm.xlane v57, v2;
	v43 =	vperm.xlane v54, v3;
	v26 =	vadd.f32 v45, v26  }
0x134: {  	v61 =	vmul.f32 v36, v36;
	v44 =	vperm.xlane v52, v3;
	v28 =	vadd.f32 v62, v28  }
0x135: {  	v4 =	vadd.f32 v4, v59;
	v62 =	vmul.f32 v41, v41;
	v26 =	vadd.f32 v55, v26  }
0x136: {  	v42 =	vperm.xlane v53, v3;
	v45 =	vadd.f32 v57, v58;
	v28 =	vadd.f32 v63, v28  }
0x137: {  	v40 =	vadd.f32 v54, v43;
	v55 =	vmul.f32 v38, v38;
	v26 =	vadd.f32 v62, v26  }
0x138: {  	v63 =	vadd.f32 v52, v44;
	v52 =	vmul.f32 v30, v30;
	v28 =	vadd.f32 v61, v28  }
0x139: {  	v58 =	vmul.f32 v27, v27;
	v61 =	vmul.f32 v32, v32;
	v26 =	vadd.f32 v55, v26  }
0x13a: {  	v54 =	vperm.xlane v56, v3;
	v57 =	vadd.f32 v53, v42;
	v28 =	vadd.f32 v52, v28  }
0x13b: {  	v59 =	vperm.xlane v4, v3;
	v62 =	vadd.f32 v50, v60;
	v26 =	vadd.f32 v61, v26  }
0x13c: {  	v23 =	vmul.f32 v23, v23;
	v36 =	vadd.f32 v56, v54;
	v27 =	vadd.f32 v58, v28  }
0x13d: {  	v53 =	vperm.xlane v48, v3;
	v4 =	vadd.f32 v4, v59;
	v24 =	vadd.f32 v24, v26  }
0x13e: {  	v44 =	vperm.xlane v51, v3;
	v50 =	vperm.xlane v46, v3;
	v22 =	vadd.f32 v22, v27  }
0x13f: {  	v56 =	vadd.f32 v48, v53;
	v63 =	vsel vm0, v40, v63;
	v23 =	vadd.f32 v23, v24  }
0x140: {  	v40 =	vperm.xlane v45, v3;
	v42 =	vperm.xlane v62, v3;
	v21 =	vadd.f32 v21, v22  }
0x141: {  	v54 =	vadd.f32 v46, v50;
	v41 =	vsel vm1, v63, v57;
	v20 =	vadd.f32 v20, v23  }
0x142: {  	v43 =	vadd.f32 v45, v40;
	v26 =	vsel vm2, v41, v36;
	v18 =	vadd.f32 v18, v21  }
0x143: {  	v45 =	vadd.f32 v62, v42;
	v4 =	vsel vm3, v26, v4;
	v19 =	vadd.f32 v19, v20  }
0x144: {  	v52 =	vadd.f32 v51, v44;
	v4 =	vsel vm4, v4, v43;
	v17 =	vadd.f32 v17, v18  }
0x145: {  	v55 =	vperm.xlane v47, v3;
	v4 =	vsel vm5, v4, v45;
	v16 =	vadd.f32 v16, v19  }
0x146: {  	v57 =	vperm.xlane v49, v3;
	v4 =	vsel vm6, v4, v52;
	v15 =	vadd.f32 v15, v17  }
0x147: {  	v58 =	vadd.f32 v47, v55;
	v4 =	vsel vm7, v4, v54;
	v14 =	vadd.f32 v14, v16  }
0x148: {  	v59 =	vadd.f32 v49, v57;
	v4 =	vsel vm8, v4, v56;
	v13 =	vadd.f32 v13, v15  }
0x149: {  	v60 =	vadd.f32 v34, v39;
	v4 =	vsel vm9, v4, v58;
	v9 =	vadd.f32 v9, v14  }
0x14a: {  	v61 =	vadd.f32 v33, v37;
	v4 =	vsel vm10, v4, v59;
	v11 =	vadd.f32 v11, v13  }
0x14b: {  	v62 =	vadd.f32 v31, v35;
	v4 =	vsel vm11, v4, v60;
	v9 =	vadd.f32 v12, v9  }
0x14c: {  	v63 =	vadd.f32 v25, v29;
	v4 =	vsel vm12, v4, v61;
	v10 =	vadd.f32 v10, v11  }
0x14d: {  	v4 =	vsel vm13, v4, v62;
	v8 =	vadd.f32 v8, v9  }
0x14e: {  	s14 =	sadd.s32 $0x10, s14;
	v4 =	vsel vm14, v4, v63;
	v7 =	vadd.f32 v7, v10  }
0x14f: {  	[tilespmem:s14+$0x0] =	vst v4;
	v4 =	vadd.f32 v6, v8  }
0x150: {  	v5 =	vadd.f32 v5, v7  }
0x151: {  	[tilespmem:$0x4620] =	vst v4  }
0x152: {  	[tilespmem:$0x4610] =	vst v5  }
0x153: {  	[hbm4b:s8+s2] =	stream.linear.scatter [tilespmem:s31], [sflag:$0x2], $0x200, $0x38;
	[tilespmem:$0x4630] =	vst v63  }
0x154: {  	_ =	swait.ge [sflag:s12], $0x200  }
0x155: {  	[sflag:s12] =	ssyncset.done $0x0  }
0x156: {  	[sflag:s12] =	ssyncadd.s32 $0xFFFFFE00  }
0x157: {  	[hbm4b:s9+s2] =	stream.linear.scatter [tilespmem:s0], [sflag:$0x2], $0x10, $0x38;
	[tilespmem:$0x4630] =	vst v63  }
0x158: {  	s1 =	sadd.s32 $0x1, s1;
	_ =	swait.ge [sflag:s12], $0x10  }
0x159: {  	p0 =	sne.s32 s1, s11;
	[sflag:s12] =	ssyncset.done $0x0  }
.Ltmp1:
0x15a: {  	[sflag:s12] =	ssyncadd.s32 $0xFFFFFFF0;
	(pc) =	sbr.rel @p0 .LBB2_1-.Ltmp1, $4  }
0x15b: {  	[hbm4b:s10+s2] =	stream.linear.scatter [tilespmem:s3], [sflag:$0x2], $0x10, $0x38;
	[tilespmem:$0x4630] =	vst v63  }
0x15c: {  	_ =	swait.ge [sflag:s12], $0x10  }
0x15d: {  	[sflag:s12] =	ssyncset.done $0x0  }
0x15e: {  	[sflag:s12] =	ssyncadd.s32 $0xFFFFFFF0  }
0x15f: {  	_ =	sfence.sel $0x180000  }
0x160: {  	[bflag:$0x0] =	sbarrier.arrive $0xFFFF  }
0x161: {  	_ =	strace $0x90000047  }
0x162: {  	s0 =	stileid.u32;
	[bflag:$0x2] =	sbarrier.arrive $0xFFFF  }
0x163: {  	p0 =	sne.s32 s0, $0x0;
	s0 =	rddreg [dreg:$0x5]  }
0x164: {  	s0 =	sadd.s32 @!p0 $0x100000, s0  }
0x165: {  	[sflag:s0] =	ssyncadd.tile.s32 @!p0 $0x1;
	_ =	shalt  }
.Lfunc_end2:
_tile_overlayer_lowered:
.L_overlay_start_2:
0x166: {  	(tag) =	ssettag $0x2  }
0x167: {  	s0 =	rddreg [dreg:$0x0];
	s2 =	stileid.u32  }
0x168: {  	s1 =	rddreg [dreg:$0x1];
	p0 =	sne.s32 s2, $0x0  }
0x169: {  	s3 =	rddreg [dreg:$0x2];
	[bflag:$0x3] =	sbarrier.arrive $0xFFFF;
	s2 =	simm.s32 @!p0 $0x1C02  }
0x16a: {  	[timem:s3], [sflag:s2] =	dma.local @!p0 [hbm:s0], s1  }
0x16b: {  	s0 =	simm.s32 @!p0 $0x2  }
0x16c: {  	_ =	swait.ge @!p0 [sflag:s0], s1  }
0x16d: {  	s1 =	ssub.s32 @!p0 $0x0, s1;
	[sflag:s0] =	ssyncset.done @!p0 $0x0  }
0x16e: {  	[sflag:s0] =	ssyncadd.s32 @!p0 s1  }
0x16f: {  	[bflag:$0x3] =	sbarrier.arrive $0xFFFF  }
0x170: {  	_ =	shalt  }

</sc_bundles>
